<compile_context>
chip_gen: v7x
topology: tpu7x:2x2x1
jax: 0.10.2.dev20260603
libtpu: 0.0.44.dev20260713+nightly
codegen_flags: <defaults>
</compile_context>

<pallas_src>
import functools

import jax
import jax.numpy as jnp
from jax import lax
from jax.experimental import pallas as pl
from jax.experimental.pallas import tpu as pltpu
from jax.experimental.pallas import tpu_sc as plsc

NC, NS = 2, 16
NW = NC * NS
B, QL, CL, D = 1024, 20, 200, 64
DP = 128
TOK = QL + CL
TOKP = 224
B_PER_W = B // NW
NBUF = 4
OUTER = B_PER_W // NBUF


@functools.cache
def _build_gather_kernel():
    mesh = plsc.VectorSubcoreMesh(core_axis_name="c", subcore_axis_name="s")

    @functools.partial(
        pl.kernel,
        out_type=jax.ShapeDtypeStruct((B, TOKP, DP), jnp.float32),
        mesh=mesh,
        scratch_types=[
            pltpu.VMEM((B_PER_W, TOK), jnp.int32),
            pltpu.VMEM((NBUF, TOKP, DP), jnp.float32),
            pltpu.SemaphoreType.DMA((NBUF,)),
            pltpu.SemaphoreType.DMA((NBUF,)),
        ],
        compiler_params=pltpu.CompilerParams(use_tc_tiling_on_sc=False),
    )
    def _gather_kernel(idx_hbm, table_hbm, out_hbm, idx_v, bufs, gsem, wsem):
        wid = lax.axis_index("s") * NC + lax.axis_index("c")
        b0 = wid * B_PER_W
        pltpu.sync_copy(idx_hbm.at[pl.ds(b0, B_PER_W)], idx_v)

        def outer(o, carry):
            base = o * NBUF
            gathers = []
            for s in range(NBUF):
                @pl.when(o > 0)
                def _(s=s):
                    pltpu.make_async_copy(
                        bufs.at[s], out_hbm.at[0], wsem.at[s]
                    ).wait()

                bl = base + s
                gathers.append(
                    pltpu.async_copy(
                        table_hbm.at[idx_v.at[bl, pl.ds(0, 128)]],
                        bufs.at[s, pl.ds(0, 128)],
                        gsem.at[s],
                    )
                )
                gathers.append(
                    pltpu.async_copy(
                        table_hbm.at[idx_v.at[bl, pl.ds(128, TOK - 128)]],
                        bufs.at[s, pl.ds(128, TOK - 128)],
                        gsem.at[s],
                    )
                )
            for s in range(NBUF):
                gathers[2 * s].wait()
                gathers[2 * s + 1].wait()
                pltpu.async_copy(
                    bufs.at[s], out_hbm.at[b0 + base + s], wsem.at[s]
                )
            return carry

        lax.fori_loop(0, OUTER, outer, 0)
        for s in range(NBUF):
            pltpu.make_async_copy(
                bufs.at[s], out_hbm.at[0], wsem.at[s]
            ).wait()

    return _gather_kernel


def kernel(table, question_words, context_words):
    idx = jnp.concatenate(
        [question_words.astype(jnp.int32), context_words.astype(jnp.int32)],
        axis=1,
    )
    table_p = jnp.pad(table, ((0, 0), (0, DP - D)))
    out_p = _build_gather_kernel()(idx, table_p)
    return out_p[:, :TOK, :D]

# --- scband reference (transcript-rebuilt; emitter-appended) ---
"""Pipeline reference for scband-paragraph-question-model-2783138808147 (READ-ONLY COPY).

The authoritative reference and input builder live on the scoring server;
editing this copy changes nothing except your own understanding.
"""

import jax, jax.numpy as jnp
import numpy as np

VOCAB = 1000000
EMBED_DIM = 64
BATCH = 1024
Q_LEN = 20
C_LEN = 200


def setup_inputs(seed: int = 0) -> dict:
    key = jax.random.key(seed)
    k_tab, k_q, k_c = jax.random.split(key, 3)
    table = jax.random.normal(k_tab, (VOCAB, EMBED_DIM), dtype=jnp.float32)
    question_words = jax.random.randint(k_q, (BATCH, Q_LEN), 0, VOCAB, dtype=jnp.int64)
    context_words = jax.random.randint(k_c, (BATCH, C_LEN), 0, VOCAB, dtype=jnp.int64)
    return {"table": table, "question_words": question_words, "context_words": context_words}


def reference(table, question_words, context_words):
    # Faithful core of ParagraphQuestionModel.get_predictions_for word-embed path:
    # embed question tokens and context tokens via a shared word embedding table,
    # then concatenate the embedded sequences (concat along axis=2 in the original
    # is over feature sources; here we have a single word-embed source, so the
    # per-sequence embeddings are the outputs; we concat q/c along the token axis
    # to produce a single output tensor).
    q_embed = jnp.take(table, question_words, axis=0)  # [B, Q_LEN, D]
    c_embed = jnp.take(table, context_words, axis=0)   # [B, C_LEN, D]
    return jnp.concatenate([q_embed, c_embed], axis=1)  # [B, Q_LEN + C_LEN, D]

if __name__ == "__main__":
    import jax
    _d = setup_inputs()
    print(jax.jit(kernel)(*tuple(_d.values())))

</pallas_src>

<mosaic_0001>
#map = affine_map<(d0, d1) -> (0, 0)>
#map1 = affine_map<(d0, d1) -> (0, 0, 0)>
module attributes {stable_mosaic.version = 14 : i64} {
  func.func @_gather_kernel(%arg0: i32, %arg1: i32, %arg2: memref<1024x220xi32, #tpu.memory_space<hbm>>, %arg3: memref<1000000x128xf32, #tpu.memory_space<hbm>>, %arg4: memref<1024x224x128xf32, #tpu.memory_space<hbm>>, %arg5: memref<32x220xi32, #tpu.memory_space<vmem>>, %arg6: memref<4x224x128xf32, #tpu.memory_space<vmem>>, %arg7: memref<4x!tpu.dma_semaphore, #tpu.memory_space<semaphore_mem>>, %arg8: memref<4x!tpu.dma_semaphore, #tpu.memory_space<semaphore_mem>>) attributes {dimension_semantics = [#tpu.dimension_semantics<core_parallel>, #tpu.dimension_semantics<subcore_parallel>], iteration_bounds = array<i64: 2, 16>, scalar_prefetch = 0 : i64, scratch_operands = 4 : i64, tpu.core_type = #tpu.core_type<sc_vector_subcore>, window_params = [{transform_indices = #map}, {transform_indices = #map}, {transform_indices = #map1}]} {
    %mul3A = arith.constant 2 : i32
    %mul3A_0 = arith.muli %arg1, %mul3A : i32
    %add3A = arith.addi %mul3A_0, %arg0 : i32
    %mul3A_1 = arith.constant 32 : i32
    %mul3A_2 = arith.muli %add3A, %mul3A_1 : i32
    "tpu.region"() ({
      %run_scoped3A = tpu.sem_alloc : memref<!tpu.dma_semaphore, #tpu.memory_space<semaphore_mem>>
      %dma_start3A = arith.constant 0 : i32
      %dma_start3A_91 = tpu.memref_slice %arg2[%mul3A_2, %dma_start3A] : memref<1024x220xi32, #tpu.memory_space<hbm>> -> memref<32x220xi32, #tpu.memory_space<hbm>>
      %dma_start3A_92 = arith.constant 0 : i32
      %dma_start3A_93 = tpu.memref_slice %arg2[%mul3A_2, %dma_start3A_92] : memref<1024x220xi32, #tpu.memory_space<hbm>> -> memref<32x220xi32, #tpu.memory_space<hbm>>
      tpu.enqueue_dma source(%dma_start3A_93 : memref<32x220xi32, #tpu.memory_space<hbm>>) target(%arg5 : memref<32x220xi32, #tpu.memory_space<vmem>>) target_semaphore(%run_scoped3A : memref<!tpu.dma_semaphore, #tpu.memory_space<semaphore_mem>>)
      %dma_wait3A_94 = arith.constant 0 : i32
      %dma_wait3A_95 = tpu.memref_slice %arg2[%mul3A_2, %dma_wait3A_94] : memref<1024x220xi32, #tpu.memory_space<hbm>> -> memref<32x220xi32, #tpu.memory_space<hbm>>
      %dma_wait3A_96 = arith.constant 0 : i32
      %dma_wait3A_97 = tpu.memref_slice %arg2[%mul3A_2, %dma_wait3A_96] : memref<1024x220xi32, #tpu.memory_space<hbm>> -> memref<32x220xi32, #tpu.memory_space<hbm>>
      tpu.wait_dma2 semaphore(%run_scoped3A : memref<!tpu.dma_semaphore, #tpu.memory_space<semaphore_mem>>) src(%dma_wait3A_97 : memref<32x220xi32, #tpu.memory_space<hbm>>) dst(%arg5 : memref<32x220xi32, #tpu.memory_space<vmem>>)
      tpu.yield
    }) : () -> ()
    %scan3A = arith.constant 0 : i32
    %scan3A_3 = arith.constant 0 : i32
    %scan3A_4 = arith.constant 8 : i32
    %scan3A_5 = arith.addi %scan3A_3, %scan3A_4 : i32
    %scan3A_6 = arith.constant 1 : i32
    scf.for %scan3A_91 = %scan3A_3 to %scan3A_5 step %scan3A_6  : i32 {
      %mul3A_92 = arith.constant 4 : i32
      %mul3A_93 = arith.muli %scan3A_91, %mul3A_92 : i32
      %gt3A = arith.constant 0 : i32
      %gt3A_94 = arith.cmpi sgt, %scan3A_91, %gt3A : i32
      %convert_element_type3A = arith.extui %gt3A_94 : i1 to i32
      %cond3A = arith.constant 0 : i32
      %cond3A_95 = arith.cmpi ne, %convert_element_type3A, %cond3A : i32
      scf.if %cond3A_95 {
        %dma_wait3A_434 = arith.constant 0 : i32
        %dma_wait3A_435 = arith.constant 0 : i32
        %dma_wait3A_436 = arith.constant 0 : i32
        %dma_wait3A_437 = arith.constant 0 : i32
        %dma_wait3A_438 = arith.constant 0 : i32
        %dma_wait3A_439 = tpu.memref_slice %arg6[%dma_wait3A_434, %dma_wait3A_437, %dma_wait3A_438] : memref<4x224x128xf32, #tpu.memory_space<vmem>> -> memref<1x224x128xf32, #tpu.memory_space<vmem>>
        %dma_wait3A_440 = tpu.memref_squeeze %dma_wait3A_439 : memref<1x224x128xf32, #tpu.memory_space<vmem>> -> memref<224x128xf32, #tpu.memory_space<vmem>>
        %dma_wait3A_441 = arith.constant 0 : i32
        %dma_wait3A_442 = arith.constant 0 : i32
        %dma_wait3A_443 = tpu.memref_slice %arg4[%dma_wait3A_435, %dma_wait3A_441, %dma_wait3A_442] : memref<1024x224x128xf32, #tpu.memory_space<hbm>> -> memref<1x224x128xf32, #tpu.memory_space<hbm>>
        %dma_wait3A_444 = tpu.memref_squeeze %dma_wait3A_443 : memref<1x224x128xf32, #tpu.memory_space<hbm>> -> memref<224x128xf32, #tpu.memory_space<hbm>>
        %dma_wait3A_445 = tpu.memref_slice %arg8[%dma_wait3A_436] : memref<4x!tpu.dma_semaphore, #tpu.memory_space<semaphore_mem>> -> memref<1x!tpu.dma_semaphore, #tpu.memory_space<semaphore_mem>>
        %dma_wait3A_446 = tpu.memref_squeeze %dma_wait3A_445 : memref<1x!tpu.dma_semaphore, #tpu.memory_space<semaphore_mem>> -> memref<!tpu.dma_semaphore, #tpu.memory_space<semaphore_mem>>
        %dma_wait3A_447 = arith.constant 0 : i32
        %dma_wait3A_448 = arith.constant 0 : i32
        %dma_wait3A_449 = tpu.memref_slice %arg4[%dma_wait3A_435, %dma_wait3A_447, %dma_wait3A_448] : memref<1024x224x128xf32, #tpu.memory_space<hbm>> -> memref<1x224x128xf32, #tpu.memory_space<hbm>>
        %dma_wait3A_450 = tpu.memref_squeeze %dma_wait3A_449 : memref<1x224x128xf32, #tpu.memory_space<hbm>> -> memref<224x128xf32, #tpu.memory_space<hbm>>
        %dma_wait3A_451 = arith.constant 0 : i32
        %dma_wait3A_452 = arith.constant 0 : i32
        %dma_wait3A_453 = tpu.memref_slice %arg6[%dma_wait3A_434, %dma_wait3A_451, %dma_wait3A_452] : memref<4x224x128xf32, #tpu.memory_space<vmem>> -> memref<1x224x128xf32, #tpu.memory_space<vmem>>
        %dma_wait3A_454 = tpu.memref_squeeze %dma_wait3A_453 : memref<1x224x128xf32, #tpu.memory_space<vmem>> -> memref<224x128xf32, #tpu.memory_space<vmem>>
        tpu.wait_dma2 semaphore(%dma_wait3A_446 : memref<!tpu.dma_semaphore, #tpu.memory_space<semaphore_mem>>) src(%dma_wait3A_454 : memref<224x128xf32, #tpu.memory_space<vmem>>) dst(%dma_wait3A_450 : memref<224x128xf32, #tpu.memory_space<hbm>>)
      } else {
      }
      %add3A_96 = arith.constant 0 : i32
      %add3A_97 = arith.addi %mul3A_93, %add3A_96 : i32
      %dma_start3A = arith.constant 0 : i32
      %dma_start3A_98 = arith.constant 0 : i32
      %dma_start3A_99 = arith.constant 0 : i32
      %dma_start3A_100 = arith.constant 0 : i32
      %dma_start3A_101 = tpu.memref_slice %arg6[%dma_start3A, %dma_start3A_99, %dma_start3A_100] : memref<4x224x128xf32, #tpu.memory_space<vmem>> -> memref<1x128x128xf32, #tpu.memory_space<vmem>>
      %dma_start3A_102 = tpu.memref_squeeze %dma_start3A_101 : memref<1x128x128xf32, #tpu.memory_space<vmem>> -> memref<128x128xf32, #tpu.memory_space<vmem>>
      %dma_start3A_103 = arith.constant 0 : i32
      %dma_start3A_104 = tpu.memref_slice %arg5[%add3A_97, %dma_start3A_103] : memref<32x220xi32, #tpu.memory_space<vmem>> -> memref<1x128xi32, #tpu.memory_space<vmem>>
      %dma_start3A_105 = tpu.memref_squeeze %dma_start3A_104 : memref<1x128xi32, #tpu.memory_space<vmem>> -> memref<128xi32, #tpu.memory_space<vmem>>
      %dma_start3A_106 = arith.constant 0 : i32
      %dma_start3A_107 = arith.constant 0 : i32
      %dma_start3A_108 = tpu.memref_slice %arg3[%dma_start3A_106, %dma_start3A_107] : memref<1000000x128xf32, #tpu.memory_space<hbm>> -> memref<1000000x128xf32, #tpu.memory_space<hbm>>
      %dma_start3A_109 = tpu.memref_slice %arg7[%dma_start3A_98] : memref<4x!tpu.dma_semaphore, #tpu.memory_space<semaphore_mem>> -> memref<1x!tpu.dma_semaphore, #tpu.memory_space<semaphore_mem>>
      %dma_start3A_110 = tpu.memref_squeeze %dma_start3A_109 : memref<1x!tpu.dma_semaphore, #tpu.memory_space<semaphore_mem>> -> memref<!tpu.dma_semaphore, #tpu.memory_space<semaphore_mem>>
      tpu.enqueue_indirect_dma source(%dma_start3A_108 : memref<1000000x128xf32, #tpu.memory_space<hbm>>) target(%dma_start3A_102 : memref<128x128xf32, #tpu.memory_space<vmem>>) offsets(%dma_start3A_105 : memref<128xi32, #tpu.memory_space<vmem>>) semaphore(%dma_start3A_110 : memref<!tpu.dma_semaphore, #tpu.memory_space<semaphore_mem>>)
      %dma_start3A_111 = arith.constant 0 : i32
      %dma_start3A_112 = arith.constant 0 : i32
      %dma_start3A_113 = arith.constant 128 : i32
      %dma_start3A_114 = arith.constant 0 : i32
      %dma_start3A_115 = tpu.memref_slice %arg6[%dma_start3A_111, %dma_start3A_113, %dma_start3A_114] : memref<4x224x128xf32, #tpu.memory_space<vmem>> -> memref<1x92x128xf32, #tpu.memory_space<vmem>>
      %dma_start3A_116 = tpu.memref_squeeze %dma_start3A_115 : memref<1x92x128xf32, #tpu.memory_space<vmem>> -> memref<92x128xf32, #tpu.memory_space<vmem>>
      %dma_start3A_117 = arith.constant 128 : i32
      %dma_start3A_118 = tpu.memref_slice %arg5[%add3A_97, %dma_start3A_117] : memref<32x220xi32, #tpu.memory_space<vmem>> -> memref<1x92xi32, #tpu.memory_space<vmem>>
      %dma_start3A_119 = tpu.memref_squeeze %dma_start3A_118 : memref<1x92xi32, #tpu.memory_space<vmem>> -> memref<92xi32, #tpu.memory_space<vmem>>
      %dma_start3A_120 = arith.constant 0 : i32
      %dma_start3A_121 = arith.constant 0 : i32
      %dma_start3A_122 = tpu.memref_slice %arg3[%dma_start3A_120, %dma_start3A_121] : memref<1000000x128xf32, #tpu.memory_space<hbm>> -> memref<1000000x128xf32, #tpu.memory_space<hbm>>
      %dma_start3A_123 = tpu.memref_slice %arg7[%dma_start3A_112] : memref<4x!tpu.dma_semaphore, #tpu.memory_space<semaphore_mem>> -> memref<1x!tpu.dma_semaphore, #tpu.memory_space<semaphore_mem>>
      %dma_start3A_124 = tpu.memref_squeeze %dma_start3A_123 : memref<1x!tpu.dma_semaphore, #tpu.memory_space<semaphore_mem>> -> memref<!tpu.dma_semaphore, #tpu.memory_space<semaphore_mem>>
      tpu.enqueue_indirect_dma source(%dma_start3A_122 : memref<1000000x128xf32, #tpu.memory_space<hbm>>) target(%dma_start3A_116 : memref<92x128xf32, #tpu.memory_space<vmem>>) offsets(%dma_start3A_119 : memref<92xi32, #tpu.memory_space<vmem>>) semaphore(%dma_start3A_124 : memref<!tpu.dma_semaphore, #tpu.memory_space<semaphore_mem>>)
      %gt3A_125 = arith.constant 0 : i32
      %gt3A_126 = arith.cmpi sgt, %scan3A_91, %gt3A_125 : i32
      %convert_element_type3A_127 = arith.extui %gt3A_126 : i1 to i32
      %cond3A_128 = arith.constant 0 : i32
      %cond3A_129 = arith.cmpi ne, %convert_element_type3A_127, %cond3A_128 : i32
      scf.if %cond3A_129 {
        %dma_wait3A_434 = arith.constant 1 : i32
        %dma_wait3A_435 = arith.constant 0 : i32
        %dma_wait3A_436 = arith.constant 1 : i32
        %dma_wait3A_437 = arith.constant 0 : i32
        %dma_wait3A_438 = arith.constant 0 : i32
        %dma_wait3A_439 = tpu.memref_slice %arg6[%dma_wait3A_434, %dma_wait3A_437, %dma_wait3A_438] : memref<4x224x128xf32, #tpu.memory_space<vmem>> -> memref<1x224x128xf32, #tpu.memory_space<vmem>>
        %dma_wait3A_440 = tpu.memref_squeeze %dma_wait3A_439 : memref<1x224x128xf32, #tpu.memory_space<vmem>> -> memref<224x128xf32, #tpu.memory_space<vmem>>
        %dma_wait3A_441 = arith.constant 0 : i32
        %dma_wait3A_442 = arith.constant 0 : i32
        %dma_wait3A_443 = tpu.memref_slice %arg4[%dma_wait3A_435, %dma_wait3A_441, %dma_wait3A_442] : memref<1024x224x128xf32, #tpu.memory_space<hbm>> -> memref<1x224x128xf32, #tpu.memory_space<hbm>>
        %dma_wait3A_444 = tpu.memref_squeeze %dma_wait3A_443 : memref<1x224x128xf32, #tpu.memory_space<hbm>> -> memref<224x128xf32, #tpu.memory_space<hbm>>
        %dma_wait3A_445 = tpu.memref_slice %arg8[%dma_wait3A_436] : memref<4x!tpu.dma_semaphore, #tpu.memory_space<semaphore_mem>> -> memref<1x!tpu.dma_semaphore, #tpu.memory_space<semaphore_mem>>
        %dma_wait3A_446 = tpu.memref_squeeze %dma_wait3A_445 : memref<1x!tpu.dma_semaphore, #tpu.memory_space<semaphore_mem>> -> memref<!tpu.dma_semaphore, #tpu.memory_space<semaphore_mem>>
        %dma_wait3A_447 = arith.constant 0 : i32
        %dma_wait3A_448 = arith.constant 0 : i32
        %dma_wait3A_449 = tpu.memref_slice %arg4[%dma_wait3A_435, %dma_wait3A_447, %dma_wait3A_448] : memref<1024x224x128xf32, #tpu.memory_space<hbm>> -> memref<1x224x128xf32, #tpu.memory_space<hbm>>
        %dma_wait3A_450 = tpu.memref_squeeze %dma_wait3A_449 : memref<1x224x128xf32, #tpu.memory_space<hbm>> -> memref<224x128xf32, #tpu.memory_space<hbm>>
        %dma_wait3A_451 = arith.constant 0 : i32
        %dma_wait3A_452 = arith.constant 0 : i32
        %dma_wait3A_453 = tpu.memref_slice %arg6[%dma_wait3A_434, %dma_wait3A_451, %dma_wait3A_452] : memref<4x224x128xf32, #tpu.memory_space<vmem>> -> memref<1x224x128xf32, #tpu.memory_space<vmem>>
        %dma_wait3A_454 = tpu.memref_squeeze %dma_wait3A_453 : memref<1x224x128xf32, #tpu.memory_space<vmem>> -> memref<224x128xf32, #tpu.memory_space<vmem>>
        tpu.wait_dma2 semaphore(%dma_wait3A_446 : memref<!tpu.dma_semaphore, #tpu.memory_space<semaphore_mem>>) src(%dma_wait3A_454 : memref<224x128xf32, #tpu.memory_space<vmem>>) dst(%dma_wait3A_450 : memref<224x128xf32, #tpu.memory_space<hbm>>)
      } else {
      }
      %add3A_130 = arith.constant 1 : i32
      %add3A_131 = arith.addi %mul3A_93, %add3A_130 : i32
      %dma_start3A_132 = arith.constant 1 : i32
      %dma_start3A_133 = arith.constant 1 : i32
      %dma_start3A_134 = arith.constant 0 : i32
      %dma_start3A_135 = arith.constant 0 : i32
      %dma_start3A_136 = tpu.memref_slice %arg6[%dma_start3A_132, %dma_start3A_134, %dma_start3A_135] : memref<4x224x128xf32, #tpu.memory_space<vmem>> -> memref<1x128x128xf32, #tpu.memory_space<vmem>>
      %dma_start3A_137 = tpu.memref_squeeze %dma_start3A_136 : memref<1x128x128xf32, #tpu.memory_space<vmem>> -> memref<128x128xf32, #tpu.memory_space<vmem>>
      %dma_start3A_138 = arith.constant 0 : i32
      %dma_start3A_139 = tpu.memref_slice %arg5[%add3A_131, %dma_start3A_138] : memref<32x220xi32, #tpu.memory_space<vmem>> -> memref<1x128xi32, #tpu.memory_space<vmem>>
      %dma_start3A_140 = tpu.memref_squeeze %dma_start3A_139 : memref<1x128xi32, #tpu.memory_space<vmem>> -> memref<128xi32, #tpu.memory_space<vmem>>
      %dma_start3A_141 = arith.constant 0 : i32
      %dma_start3A_142 = arith.constant 0 : i32
      %dma_start3A_143 = tpu.memref_slice %arg3[%dma_start3A_141, %dma_start3A_142] : memref<1000000x128xf32, #tpu.memory_space<hbm>> -> memref<1000000x128xf32, #tpu.memory_space<hbm>>
      %dma_start3A_144 = tpu.memref_slice %arg7[%dma_start3A_133] : memref<4x!tpu.dma_semaphore, #tpu.memory_space<semaphore_mem>> -> memref<1x!tpu.dma_semaphore, #tpu.memory_space<semaphore_mem>>
      %dma_start3A_145 = tpu.memref_squeeze %dma_start3A_144 : memref<1x!tpu.dma_semaphore, #tpu.memory_space<semaphore_mem>> -> memref<!tpu.dma_semaphore, #tpu.memory_space<semaphore_mem>>
      tpu.enqueue_indirect_dma source(%dma_start3A_143 : memref<1000000x128xf32, #tpu.memory_space<hbm>>) target(%dma_start3A_137 : memref<128x128xf32, #tpu.memory_space<vmem>>) offsets(%dma_start3A_140 : memref<128xi32, #tpu.memory_space<vmem>>) semaphore(%dma_start3A_145 : memref<!tpu.dma_semaphore, #tpu.memory_space<semaphore_mem>>)
      %dma_start3A_146 = arith.constant 1 : i32
      %dma_start3A_147 = arith.constant 1 : i32
      %dma_start3A_148 = arith.constant 128 : i32
      %dma_start3A_149 = arith.constant 0 : i32
      %dma_start3A_150 = tpu.memref_slice %arg6[%dma_start3A_146, %dma_start3A_148, %dma_start3A_149] : memref<4x224x128xf32, #tpu.memory_space<vmem>> -> memref<1x92x128xf32, #tpu.memory_space<vmem>>
      %dma_start3A_151 = tpu.memref_squeeze %dma_start3A_150 : memref<1x92x128xf32, #tpu.memory_space<vmem>> -> memref<92x128xf32, #tpu.memory_space<vmem>>
      %dma_start3A_152 = arith.constant 128 : i32
      %dma_start3A_153 = tpu.memref_slice %arg5[%add3A_131, %dma_start3A_152] : memref<32x220xi32, #tpu.memory_space<vmem>> -> memref<1x92xi32, #tpu.memory_space<vmem>>
      %dma_start3A_154 = tpu.memref_squeeze %dma_start3A_153 : memref<1x92xi32, #tpu.memory_space<vmem>> -> memref<92xi32, #tpu.memory_space<vmem>>
      %dma_start3A_155 = arith.constant 0 : i32
      %dma_start3A_156 = arith.constant 0 : i32
      %dma_start3A_157 = tpu.memref_slice %arg3[%dma_start3A_155, %dma_start3A_156] : memref<1000000x128xf32, #tpu.memory_space<hbm>> -> memref<1000000x128xf32, #tpu.memory_space<hbm>>
      %dma_start3A_158 = tpu.memref_slice %arg7[%dma_start3A_147] : memref<4x!tpu.dma_semaphore, #tpu.memory_space<semaphore_mem>> -> memref<1x!tpu.dma_semaphore, #tpu.memory_space<semaphore_mem>>
      %dma_start3A_159 = tpu.memref_squeeze %dma_start3A_158 : memref<1x!tpu.dma_semaphore, #tpu.memory_space<semaphore_mem>> -> memref<!tpu.dma_semaphore, #tpu.memory_space<semaphore_mem>>
      tpu.enqueue_indirect_dma source(%dma_start3A_157 : memref<1000000x128xf32, #tpu.memory_space<hbm>>) target(%dma_start3A_151 : memref<92x128xf32, #tpu.memory_space<vmem>>) offsets(%dma_start3A_154 : memref<92xi32, #tpu.memory_space<vmem>>) semaphore(%dma_start3A_159 : memref<!tpu.dma_semaphore, #tpu.memory_space<semaphore_mem>>)
      %gt3A_160 = arith.constant 0 : i32
      %gt3A_161 = arith.cmpi sgt, %scan3A_91, %gt3A_160 : i32
      %convert_element_type3A_162 = arith.extui %gt3A_161 : i1 to i32
      %cond3A_163 = arith.constant 0 : i32
      %cond3A_164 = arith.cmpi ne, %convert_element_type3A_162, %cond3A_163 : i32
      scf.if %cond3A_164 {
        %dma_wait3A_434 = arith.constant 2 : i32
        %dma_wait3A_435 = arith.constant 0 : i32
        %dma_wait3A_436 = arith.constant 2 : i32
        %dma_wait3A_437 = arith.constant 0 : i32
        %dma_wait3A_438 = arith.constant 0 : i32
        %dma_wait3A_439 = tpu.memref_slice %arg6[%dma_wait3A_434, %dma_wait3A_437, %dma_wait3A_438] : memref<4x224x128xf32, #tpu.memory_space<vmem>> -> memref<1x224x128xf32, #tpu.memory_space<vmem>>
        %dma_wait3A_440 = tpu.memref_squeeze %dma_wait3A_439 : memref<1x224x128xf32, #tpu.memory_space<vmem>> -> memref<224x128xf32, #tpu.memory_space<vmem>>
        %dma_wait3A_441 = arith.constant 0 : i32
        %dma_wait3A_442 = arith.constant 0 : i32
        %dma_wait3A_443 = tpu.memref_slice %arg4[%dma_wait3A_435, %dma_wait3A_441, %dma_wait3A_442] : memref<1024x224x128xf32, #tpu.memory_space<hbm>> -> memref<1x224x128xf32, #tpu.memory_space<hbm>>
        %dma_wait3A_444 = tpu.memref_squeeze %dma_wait3A_443 : memref<1x224x128xf32, #tpu.memory_space<hbm>> -> memref<224x128xf32, #tpu.memory_space<hbm>>
        %dma_wait3A_445 = tpu.memref_slice %arg8[%dma_wait3A_436] : memref<4x!tpu.dma_semaphore, #tpu.memory_space<semaphore_mem>> -> memref<1x!tpu.dma_semaphore, #tpu.memory_space<semaphore_mem>>
        %dma_wait3A_446 = tpu.memref_squeeze %dma_wait3A_445 : memref<1x!tpu.dma_semaphore, #tpu.memory_space<semaphore_mem>> -> memref<!tpu.dma_semaphore, #tpu.memory_space<semaphore_mem>>
        %dma_wait3A_447 = arith.constant 0 : i32
        %dma_wait3A_448 = arith.constant 0 : i32
        %dma_wait3A_449 = tpu.memref_slice %arg4[%dma_wait3A_435, %dma_wait3A_447, %dma_wait3A_448] : memref<1024x224x128xf32, #tpu.memory_space<hbm>> -> memref<1x224x128xf32, #tpu.memory_space<hbm>>
        %dma_wait3A_450 = tpu.memref_squeeze %dma_wait3A_449 : memref<1x224x128xf32, #tpu.memory_space<hbm>> -> memref<224x128xf32, #tpu.memory_space<hbm>>
        %dma_wait3A_451 = arith.constant 0 : i32
        %dma_wait3A_452 = arith.constant 0 : i32
        %dma_wait3A_453 = tpu.memref_slice %arg6[%dma_wait3A_434, %dma_wait3A_451, %dma_wait3A_452] : memref<4x224x128xf32, #tpu.memory_space<vmem>> -> memref<1x224x128xf32, #tpu.memory_space<vmem>>
        %dma_wait3A_454 = tpu.memref_squeeze %dma_wait3A_453 : memref<1x224x128xf32, #tpu.memory_space<vmem>> -> memref<224x128xf32, #tpu.memory_space<vmem>>
        tpu.wait_dma2 semaphore(%dma_wait3A_446 : memref<!tpu.dma_semaphore, #tpu.memory_space<semaphore_mem>>) src(%dma_wait3A_454 : memref<224x128xf32, #tpu.memory_space<vmem>>) dst(%dma_wait3A_450 : memref<224x128xf32, #tpu.memory_space<hbm>>)
      } else {
      }
      %add3A_165 = arith.constant 2 : i32
      %add3A_166 = arith.addi %mul3A_93, %add3A_165 : i32
      %dma_start3A_167 = arith.constant 2 : i32
      %dma_start3A_168 = arith.constant 2 : i32
      %dma_start3A_169 = arith.constant 0 : i32
      %dma_start3A_170 = arith.constant 0 : i32
      %dma_start3A_171 = tpu.memref_slice %arg6[%dma_start3A_167, %dma_start3A_169, %dma_start3A_170] : memref<4x224x128xf32, #tpu.memory_space<vmem>> -> memref<1x128x128xf32, #tpu.memory_space<vmem>>
      %dma_start3A_172 = tpu.memref_squeeze %dma_start3A_171 : memref<1x128x128xf32, #tpu.memory_space<vmem>> -> memref<128x128xf32, #tpu.memory_space<vmem>>
      %dma_start3A_173 = arith.constant 0 : i32
      %dma_start3A_174 = tpu.memref_slice %arg5[%add3A_166, %dma_start3A_173] : memref<32x220xi32, #tpu.memory_space<vmem>> -> memref<1x128xi32, #tpu.memory_space<vmem>>
      %dma_start3A_175 = tpu.memref_squeeze %dma_start3A_174 : memref<1x128xi32, #tpu.memory_space<vmem>> -> memref<128xi32, #tpu.memory_space<vmem>>
      %dma_start3A_176 = arith.constant 0 : i32
      %dma_start3A_177 = arith.constant 0 : i32
      %dma_start3A_178 = tpu.memref_slice %arg3[%dma_start3A_176, %dma_start3A_177] : memref<1000000x128xf32, #tpu.memory_space<hbm>> -> memref<1000000x128xf32, #tpu.memory_space<hbm>>
      %dma_start3A_179 = tpu.memref_slice %arg7[%dma_start3A_168] : memref<4x!tpu.dma_semaphore, #tpu.memory_space<semaphore_mem>> -> memref<1x!tpu.dma_semaphore, #tpu.memory_space<semaphore_mem>>
      %dma_start3A_180 = tpu.memref_squeeze %dma_start3A_179 : memref<1x!tpu.dma_semaphore, #tpu.memory_space<semaphore_mem>> -> memref<!tpu.dma_semaphore, #tpu.memory_space<semaphore_mem>>
      tpu.enqueue_indirect_dma source(%dma_start3A_178 : memref<1000000x128xf32, #tpu.memory_space<hbm>>) target(%dma_start3A_172 : memref<128x128xf32, #tpu.memory_space<vmem>>) offsets(%dma_start3A_175 : memref<128xi32, #tpu.memory_space<vmem>>) semaphore(%dma_start3A_180 : memref<!tpu.dma_semaphore, #tpu.memory_space<semaphore_mem>>)
      %dma_start3A_181 = arith.constant 2 : i32
      %dma_start3A_182 = arith.constant 2 : i32
      %dma_start3A_183 = arith.constant 128 : i32
      %dma_start3A_184 = arith.constant 0 : i32
      %dma_start3A_185 = tpu.memref_slice %arg6[%dma_start3A_181, %dma_start3A_183, %dma_start3A_184] : memref<4x224x128xf32, #tpu.memory_space<vmem>> -> memref<1x92x128xf32, #tpu.memory_space<vmem>>
      %dma_start3A_186 = tpu.memref_squeeze %dma_start3A_185 : memref<1x92x128xf32, #tpu.memory_space<vmem>> -> memref<92x128xf32, #tpu.memory_space<vmem>>
      %dma_start3A_187 = arith.constant 128 : i32
      %dma_start3A_188 = tpu.memref_slice %arg5[%add3A_166, %dma_start3A_187] : memref<32x220xi32, #tpu.memory_space<vmem>> -> memref<1x92xi32, #tpu.memory_space<vmem>>
      %dma_start3A_189 = tpu.memref_squeeze %dma_start3A_188 : memref<1x92xi32, #tpu.memory_space<vmem>> -> memref<92xi32, #tpu.memory_space<vmem>>
      %dma_start3A_190 = arith.constant 0 : i32
      %dma_start3A_191 = arith.constant 0 : i32
      %dma_start3A_192 = tpu.memref_slice %arg3[%dma_start3A_190, %dma_start3A_191] : memref<1000000x128xf32, #tpu.memory_space<hbm>> -> memref<1000000x128xf32, #tpu.memory_space<hbm>>
      %dma_start3A_193 = tpu.memref_slice %arg7[%dma_start3A_182] : memref<4x!tpu.dma_semaphore, #tpu.memory_space<semaphore_mem>> -> memref<1x!tpu.dma_semaphore, #tpu.memory_space<semaphore_mem>>
      %dma_start3A_194 = tpu.memref_squeeze %dma_start3A_193 : memref<1x!tpu.dma_semaphore, #tpu.memory_space<semaphore_mem>> -> memref<!tpu.dma_semaphore, #tpu.memory_space<semaphore_mem>>
      tpu.enqueue_indirect_dma source(%dma_start3A_192 : memref<1000000x128xf32, #tpu.memory_space<hbm>>) target(%dma_start3A_186 : memref<92x128xf32, #tpu.memory_space<vmem>>) offsets(%dma_start3A_189 : memref<92xi32, #tpu.memory_space<vmem>>) semaphore(%dma_start3A_194 : memref<!tpu.dma_semaphore, #tpu.memory_space<semaphore_mem>>)
      %gt3A_195 = arith.constant 0 : i32
      %gt3A_196 = arith.cmpi sgt, %scan3A_91, %gt3A_195 : i32
      %convert_element_type3A_197 = arith.extui %gt3A_196 : i1 to i32
      %cond3A_198 = arith.constant 0 : i32
      %cond3A_199 = arith.cmpi ne, %convert_element_type3A_197, %cond3A_198 : i32
      scf.if %cond3A_199 {
        %dma_wait3A_434 = arith.constant 3 : i32
        %dma_wait3A_435 = arith.constant 0 : i32
        %dma_wait3A_436 = arith.constant 3 : i32
        %dma_wait3A_437 = arith.constant 0 : i32
        %dma_wait3A_438 = arith.constant 0 : i32
        %dma_wait3A_439 = tpu.memref_slice %arg6[%dma_wait3A_434, %dma_wait3A_437, %dma_wait3A_438] : memref<4x224x128xf32, #tpu.memory_space<vmem>> -> memref<1x224x128xf32, #tpu.memory_space<vmem>>
        %dma_wait3A_440 = tpu.memref_squeeze %dma_wait3A_439 : memref<1x224x128xf32, #tpu.memory_space<vmem>> -> memref<224x128xf32, #tpu.memory_space<vmem>>
        %dma_wait3A_441 = arith.constant 0 : i32
        %dma_wait3A_442 = arith.constant 0 : i32
        %dma_wait3A_443 = tpu.memref_slice %arg4[%dma_wait3A_435, %dma_wait3A_441, %dma_wait3A_442] : memref<1024x224x128xf32, #tpu.memory_space<hbm>> -> memref<1x224x128xf32, #tpu.memory_space<hbm>>
        %dma_wait3A_444 = tpu.memref_squeeze %dma_wait3A_443 : memref<1x224x128xf32, #tpu.memory_space<hbm>> -> memref<224x128xf32, #tpu.memory_space<hbm>>
        %dma_wait3A_445 = tpu.memref_slice %arg8[%dma_wait3A_436] : memref<4x!tpu.dma_semaphore, #tpu.memory_space<semaphore_mem>> -> memref<1x!tpu.dma_semaphore, #tpu.memory_space<semaphore_mem>>
        %dma_wait3A_446 = tpu.memref_squeeze %dma_wait3A_445 : memref<1x!tpu.dma_semaphore, #tpu.memory_space<semaphore_mem>> -> memref<!tpu.dma_semaphore, #tpu.memory_space<semaphore_mem>>
        %dma_wait3A_447 = arith.constant 0 : i32
        %dma_wait3A_448 = arith.constant 0 : i32
        %dma_wait3A_449 = tpu.memref_slice %arg4[%dma_wait3A_435, %dma_wait3A_447, %dma_wait3A_448] : memref<1024x224x128xf32, #tpu.memory_space<hbm>> -> memref<1x224x128xf32, #tpu.memory_space<hbm>>
        %dma_wait3A_450 = tpu.memref_squeeze %dma_wait3A_449 : memref<1x224x128xf32, #tpu.memory_space<hbm>> -> memref<224x128xf32, #tpu.memory_space<hbm>>
        %dma_wait3A_451 = arith.constant 0 : i32
        %dma_wait3A_452 = arith.constant 0 : i32
        %dma_wait3A_453 = tpu.memref_slice %arg6[%dma_wait3A_434, %dma_wait3A_451, %dma_wait3A_452] : memref<4x224x128xf32, #tpu.memory_space<vmem>> -> memref<1x224x128xf32, #tpu.memory_space<vmem>>
        %dma_wait3A_454 = tpu.memref_squeeze %dma_wait3A_453 : memref<1x224x128xf32, #tpu.memory_space<vmem>> -> memref<224x128xf32, #tpu.memory_space<vmem>>
        tpu.wait_dma2 semaphore(%dma_wait3A_446 : memref<!tpu.dma_semaphore, #tpu.memory_space<semaphore_mem>>) src(%dma_wait3A_454 : memref<224x128xf32, #tpu.memory_space<vmem>>) dst(%dma_wait3A_450 : memref<224x128xf32, #tpu.memory_space<hbm>>)
      } else {
      }
      %add3A_200 = arith.constant 3 : i32
      %add3A_201 = arith.addi %mul3A_93, %add3A_200 : i32
      %dma_start3A_202 = arith.constant 3 : i32
      %dma_start3A_203 = arith.constant 3 : i32
      %dma_start3A_204 = arith.constant 0 : i32
      %dma_start3A_205 = arith.constant 0 : i32
      %dma_start3A_206 = tpu.memref_slice %arg6[%dma_start3A_202, %dma_start3A_204, %dma_start3A_205] : memref<4x224x128xf32, #tpu.memory_space<vmem>> -> memref<1x128x128xf32, #tpu.memory_space<vmem>>
      %dma_start3A_207 = tpu.memref_squeeze %dma_start3A_206 : memref<1x128x128xf32, #tpu.memory_space<vmem>> -> memref<128x128xf32, #tpu.memory_space<vmem>>
      %dma_start3A_208 = arith.constant 0 : i32
      %dma_start3A_209 = tpu.memref_slice %arg5[%add3A_201, %dma_start3A_208] : memref<32x220xi32, #tpu.memory_space<vmem>> -> memref<1x128xi32, #tpu.memory_space<vmem>>
      %dma_start3A_210 = tpu.memref_squeeze %dma_start3A_209 : memref<1x128xi32, #tpu.memory_space<vmem>> -> memref<128xi32, #tpu.memory_space<vmem>>
      %dma_start3A_211 = arith.constant 0 : i32
      %dma_start3A_212 = arith.constant 0 : i32
      %dma_start3A_213 = tpu.memref_slice %arg3[%dma_start3A_211, %dma_start3A_212] : memref<1000000x128xf32, #tpu.memory_space<hbm>> -> memref<1000000x128xf32, #tpu.memory_space<hbm>>
      %dma_start3A_214 = tpu.memref_slice %arg7[%dma_start3A_203] : memref<4x!tpu.dma_semaphore, #tpu.memory_space<semaphore_mem>> -> memref<1x!tpu.dma_semaphore, #tpu.memory_space<semaphore_mem>>
      %dma_start3A_215 = tpu.memref_squeeze %dma_start3A_214 : memref<1x!tpu.dma_semaphore, #tpu.memory_space<semaphore_mem>> -> memref<!tpu.dma_semaphore, #tpu.memory_space<semaphore_mem>>
      tpu.enqueue_indirect_dma source(%dma_start3A_213 : memref<1000000x128xf32, #tpu.memory_space<hbm>>) target(%dma_start3A_207 : memref<128x128xf32, #tpu.memory_space<vmem>>) offsets(%dma_start3A_210 : memref<128xi32, #tpu.memory_space<vmem>>) semaphore(%dma_start3A_215 : memref<!tpu.dma_semaphore, #tpu.memory_space<semaphore_mem>>)
      %dma_start3A_216 = arith.constant 3 : i32
      %dma_start3A_217 = arith.constant 3 : i32
      %dma_start3A_218 = arith.constant 128 : i32
      %dma_start3A_219 = arith.constant 0 : i32
      %dma_start3A_220 = tpu.memref_slice %arg6[%dma_start3A_216, %dma_start3A_218, %dma_start3A_219] : memref<4x224x128xf32, #tpu.memory_space<vmem>> -> memref<1x92x128xf32, #tpu.memory_space<vmem>>
      %dma_start3A_221 = tpu.memref_squeeze %dma_start3A_220 : memref<1x92x128xf32, #tpu.memory_space<vmem>> -> memref<92x128xf32, #tpu.memory_space<vmem>>
      %dma_start3A_222 = arith.constant 128 : i32
      %dma_start3A_223 = tpu.memref_slice %arg5[%add3A_201, %dma_start3A_222] : memref<32x220xi32, #tpu.memory_space<vmem>> -> memref<1x92xi32, #tpu.memory_space<vmem>>
      %dma_start3A_224 = tpu.memref_squeeze %dma_start3A_223 : memref<1x92xi32, #tpu.memory_space<vmem>> -> memref<92xi32, #tpu.memory_space<vmem>>
      %dma_start3A_225 = arith.constant 0 : i32
      %dma_start3A_226 = arith.constant 0 : i32
      %dma_start3A_227 = tpu.memref_slice %arg3[%dma_start3A_225, %dma_start3A_226] : memref<1000000x128xf32, #tpu.memory_space<hbm>> -> memref<1000000x128xf32, #tpu.memory_space<hbm>>
      %dma_start3A_228 = tpu.memref_slice %arg7[%dma_start3A_217] : memref<4x!tpu.dma_semaphore, #tpu.memory_space<semaphore_mem>> -> memref<1x!tpu.dma_semaphore, #tpu.memory_space<semaphore_mem>>
      %dma_start3A_229 = tpu.memref_squeeze %dma_start3A_228 : memref<1x!tpu.dma_semaphore, #tpu.memory_space<semaphore_mem>> -> memref<!tpu.dma_semaphore, #tpu.memory_space<semaphore_mem>>
      tpu.enqueue_indirect_dma source(%dma_start3A_227 : memref<1000000x128xf32, #tpu.memory_space<hbm>>) target(%dma_start3A_221 : memref<92x128xf32, #tpu.memory_space<vmem>>) offsets(%dma_start3A_224 : memref<92xi32, #tpu.memory_space<vmem>>) semaphore(%dma_start3A_229 : memref<!tpu.dma_semaphore, #tpu.memory_space<semaphore_mem>>)
      %dma_wait3A_230 = arith.constant 0 : i32
      %dma_wait3A_231 = arith.constant 0 : i32
      %dma_wait3A_232 = arith.constant 0 : i32
      %dma_wait3A_233 = arith.constant 0 : i32
      %dma_wait3A_234 = tpu.memref_slice %arg6[%dma_wait3A_230, %dma_wait3A_232, %dma_wait3A_233] : memref<4x224x128xf32, #tpu.memory_space<vmem>> -> memref<1x128x128xf32, #tpu.memory_space<vmem>>
      %dma_wait3A_235 = tpu.memref_squeeze %dma_wait3A_234 : memref<1x128x128xf32, #tpu.memory_space<vmem>> -> memref<128x128xf32, #tpu.memory_space<vmem>>
      %dma_wait3A_236 = arith.constant 0 : i32
      %dma_wait3A_237 = tpu.memref_slice %arg5[%add3A_97, %dma_wait3A_236] : memref<32x220xi32, #tpu.memory_space<vmem>> -> memref<1x128xi32, #tpu.memory_space<vmem>>
      %dma_wait3A_238 = tpu.memref_squeeze %dma_wait3A_237 : memref<1x128xi32, #tpu.memory_space<vmem>> -> memref<128xi32, #tpu.memory_space<vmem>>
      %dma_wait3A_239 = arith.constant 0 : i32
      %dma_wait3A_240 = arith.constant 0 : i32
      %dma_wait3A_241 = tpu.memref_slice %arg3[%dma_wait3A_239, %dma_wait3A_240] : memref<1000000x128xf32, #tpu.memory_space<hbm>> -> memref<1000000x128xf32, #tpu.memory_space<hbm>>
      %dma_wait3A_242 = tpu.memref_slice %arg7[%dma_wait3A_231] : memref<4x!tpu.dma_semaphore, #tpu.memory_space<semaphore_mem>> -> memref<1x!tpu.dma_semaphore, #tpu.memory_space<semaphore_mem>>
      %dma_wait3A_243 = tpu.memref_squeeze %dma_wait3A_242 : memref<1x!tpu.dma_semaphore, #tpu.memory_space<semaphore_mem>> -> memref<!tpu.dma_semaphore, #tpu.memory_space<semaphore_mem>>
      tpu.wait_indirect_dma semaphore(%dma_wait3A_243 : memref<!tpu.dma_semaphore, #tpu.memory_space<semaphore_mem>>) src(%dma_wait3A_241 : memref<1000000x128xf32, #tpu.memory_space<hbm>>) dst(%dma_wait3A_235 : memref<128x128xf32, #tpu.memory_space<vmem>>)
      %dma_wait3A_244 = arith.constant 0 : i32
      %dma_wait3A_245 = arith.constant 0 : i32
      %dma_wait3A_246 = arith.constant 128 : i32
      %dma_wait3A_247 = arith.constant 0 : i32
      %dma_wait3A_248 = tpu.memref_slice %arg6[%dma_wait3A_244, %dma_wait3A_246, %dma_wait3A_247] : memref<4x224x128xf32, #tpu.memory_space<vmem>> -> memref<1x92x128xf32, #tpu.memory_space<vmem>>
      %dma_wait3A_249 = tpu.memref_squeeze %dma_wait3A_248 : memref<1x92x128xf32, #tpu.memory_space<vmem>> -> memref<92x128xf32, #tpu.memory_space<vmem>>
      %dma_wait3A_250 = arith.constant 128 : i32
      %dma_wait3A_251 = tpu.memref_slice %arg5[%add3A_97, %dma_wait3A_250] : memref<32x220xi32, #tpu.memory_space<vmem>> -> memref<1x92xi32, #tpu.memory_space<vmem>>
      %dma_wait3A_252 = tpu.memref_squeeze %dma_wait3A_251 : memref<1x92xi32, #tpu.memory_space<vmem>> -> memref<92xi32, #tpu.memory_space<vmem>>
      %dma_wait3A_253 = arith.constant 0 : i32
      %dma_wait3A_254 = arith.constant 0 : i32
      %dma_wait3A_255 = tpu.memref_slice %arg3[%dma_wait3A_253, %dma_wait3A_254] : memref<1000000x128xf32, #tpu.memory_space<hbm>> -> memref<1000000x128xf32, #tpu.memory_space<hbm>>
      %dma_wait3A_256 = tpu.memref_slice %arg7[%dma_wait3A_245] : memref<4x!tpu.dma_semaphore, #tpu.memory_space<semaphore_mem>> -> memref<1x!tpu.dma_semaphore, #tpu.memory_space<semaphore_mem>>
      %dma_wait3A_257 = tpu.memref_squeeze %dma_wait3A_256 : memref<1x!tpu.dma_semaphore, #tpu.memory_space<semaphore_mem>> -> memref<!tpu.dma_semaphore, #tpu.memory_space<semaphore_mem>>
      tpu.wait_indirect_dma semaphore(%dma_wait3A_257 : memref<!tpu.dma_semaphore, #tpu.memory_space<semaphore_mem>>) src(%dma_wait3A_255 : memref<1000000x128xf32, #tpu.memory_space<hbm>>) dst(%dma_wait3A_249 : memref<92x128xf32, #tpu.memory_space<vmem>>)
      %add3A_258 = arith.addi %mul3A_2, %mul3A_93 : i32
      %add3A_259 = arith.constant 0 : i32
      %add3A_260 = arith.addi %add3A_258, %add3A_259 : i32
      %dma_start3A_261 = arith.constant 0 : i32
      %dma_start3A_262 = arith.constant 0 : i32
      %dma_start3A_263 = arith.constant 0 : i32
      %dma_start3A_264 = arith.constant 0 : i32
      %dma_start3A_265 = tpu.memref_slice %arg6[%dma_start3A_261, %dma_start3A_263, %dma_start3A_264] : memref<4x224x128xf32, #tpu.memory_space<vmem>> -> memref<1x224x128xf32, #tpu.memory_space<vmem>>
      %dma_start3A_266 = tpu.memref_squeeze %dma_start3A_265 : memref<1x224x128xf32, #tpu.memory_space<vmem>> -> memref<224x128xf32, #tpu.memory_space<vmem>>
      %dma_start3A_267 = arith.constant 0 : i32
      %dma_start3A_268 = arith.constant 0 : i32
      %dma_start3A_269 = tpu.memref_slice %arg4[%add3A_260, %dma_start3A_267, %dma_start3A_268] : memref<1024x224x128xf32, #tpu.memory_space<hbm>> -> memref<1x224x128xf32, #tpu.memory_space<hbm>>
      %dma_start3A_270 = tpu.memref_squeeze %dma_start3A_269 : memref<1x224x128xf32, #tpu.memory_space<hbm>> -> memref<224x128xf32, #tpu.memory_space<hbm>>
      %dma_start3A_271 = tpu.memref_slice %arg8[%dma_start3A_262] : memref<4x!tpu.dma_semaphore, #tpu.memory_space<semaphore_mem>> -> memref<1x!tpu.dma_semaphore, #tpu.memory_space<semaphore_mem>>
      %dma_start3A_272 = tpu.memref_squeeze %dma_start3A_271 : memref<1x!tpu.dma_semaphore, #tpu.memory_space<semaphore_mem>> -> memref<!tpu.dma_semaphore, #tpu.memory_space<semaphore_mem>>
      %dma_start3A_273 = arith.constant 0 : i32
      %dma_start3A_274 = arith.constant 0 : i32
      %dma_start3A_275 = tpu.memref_slice %arg4[%add3A_260, %dma_start3A_273, %dma_start3A_274] : memref<1024x224x128xf32, #tpu.memory_space<hbm>> -> memref<1x224x128xf32, #tpu.memory_space<hbm>>
      %dma_start3A_276 = tpu.memref_squeeze %dma_start3A_275 : memref<1x224x128xf32, #tpu.memory_space<hbm>> -> memref<224x128xf32, #tpu.memory_space<hbm>>
      %dma_start3A_277 = arith.constant 0 : i32
      %dma_start3A_278 = arith.constant 0 : i32
      %dma_start3A_279 = tpu.memref_slice %arg6[%dma_start3A_261, %dma_start3A_277, %dma_start3A_278] : memref<4x224x128xf32, #tpu.memory_space<vmem>> -> memref<1x224x128xf32, #tpu.memory_space<vmem>>
      %dma_start3A_280 = tpu.memref_squeeze %dma_start3A_279 : memref<1x224x128xf32, #tpu.memory_space<vmem>> -> memref<224x128xf32, #tpu.memory_space<vmem>>
      tpu.enqueue_dma source(%dma_start3A_280 : memref<224x128xf32, #tpu.memory_space<vmem>>) target(%dma_start3A_276 : memref<224x128xf32, #tpu.memory_space<hbm>>) target_semaphore(%dma_start3A_272 : memref<!tpu.dma_semaphore, #tpu.memory_space<semaphore_mem>>)
      %dma_wait3A_281 = arith.constant 1 : i32
      %dma_wait3A_282 = arith.constant 1 : i32
      %dma_wait3A_283 = arith.constant 0 : i32
      %dma_wait3A_284 = arith.constant 0 : i32
      %dma_wait3A_285 = tpu.memref_slice %arg6[%dma_wait3A_281, %dma_wait3A_283, %dma_wait3A_284] : memref<4x224x128xf32, #tpu.memory_space<vmem>> -> memref<1x128x128xf32, #tpu.memory_space<vmem>>
      %dma_wait3A_286 = tpu.memref_squeeze %dma_wait3A_285 : memref<1x128x128xf32, #tpu.memory_space<vmem>> -> memref<128x128xf32, #tpu.memory_space<vmem>>
      %dma_wait3A_287 = arith.constant 0 : i32
      %dma_wait3A_288 = tpu.memref_slice %arg5[%add3A_131, %dma_wait3A_287] : memref<32x220xi32, #tpu.memory_space<vmem>> -> memref<1x128xi32, #tpu.memory_space<vmem>>
      %dma_wait3A_289 = tpu.memref_squeeze %dma_wait3A_288 : memref<1x128xi32, #tpu.memory_space<vmem>> -> memref<128xi32, #tpu.memory_space<vmem>>
      %dma_wait3A_290 = arith.constant 0 : i32
      %dma_wait3A_291 = arith.constant 0 : i32
      %dma_wait3A_292 = tpu.memref_slice %arg3[%dma_wait3A_290, %dma_wait3A_291] : memref<1000000x128xf32, #tpu.memory_space<hbm>> -> memref<1000000x128xf32, #tpu.memory_space<hbm>>
      %dma_wait3A_293 = tpu.memref_slice %arg7[%dma_wait3A_282] : memref<4x!tpu.dma_semaphore, #tpu.memory_space<semaphore_mem>> -> memref<1x!tpu.dma_semaphore, #tpu.memory_space<semaphore_mem>>
      %dma_wait3A_294 = tpu.memref_squeeze %dma_wait3A_293 : memref<1x!tpu.dma_semaphore, #tpu.memory_space<semaphore_mem>> -> memref<!tpu.dma_semaphore, #tpu.memory_space<semaphore_mem>>
      tpu.wait_indirect_dma semaphore(%dma_wait3A_294 : memref<!tpu.dma_semaphore, #tpu.memory_space<semaphore_mem>>) src(%dma_wait3A_292 : memref<1000000x128xf32, #tpu.memory_space<hbm>>) dst(%dma_wait3A_286 : memref<128x128xf32, #tpu.memory_space<vmem>>)
      %dma_wait3A_295 = arith.constant 1 : i32
      %dma_wait3A_296 = arith.constant 1 : i32
      %dma_wait3A_297 = arith.constant 128 : i32
      %dma_wait3A_298 = arith.constant 0 : i32
      %dma_wait3A_299 = tpu.memref_slice %arg6[%dma_wait3A_295, %dma_wait3A_297, %dma_wait3A_298] : memref<4x224x128xf32, #tpu.memory_space<vmem>> -> memref<1x92x128xf32, #tpu.memory_space<vmem>>
      %dma_wait3A_300 = tpu.memref_squeeze %dma_wait3A_299 : memref<1x92x128xf32, #tpu.memory_space<vmem>> -> memref<92x128xf32, #tpu.memory_space<vmem>>
      %dma_wait3A_301 = arith.constant 128 : i32
      %dma_wait3A_302 = tpu.memref_slice %arg5[%add3A_131, %dma_wait3A_301] : memref<32x220xi32, #tpu.memory_space<vmem>> -> memref<1x92xi32, #tpu.memory_space<vmem>>
      %dma_wait3A_303 = tpu.memref_squeeze %dma_wait3A_302 : memref<1x92xi32, #tpu.memory_space<vmem>> -> memref<92xi32, #tpu.memory_space<vmem>>
      %dma_wait3A_304 = arith.constant 0 : i32
      %dma_wait3A_305 = arith.constant 0 : i32
      %dma_wait3A_306 = tpu.memref_slice %arg3[%dma_wait3A_304, %dma_wait3A_305] : memref<1000000x128xf32, #tpu.memory_space<hbm>> -> memref<1000000x128xf32, #tpu.memory_space<hbm>>
      %dma_wait3A_307 = tpu.memref_slice %arg7[%dma_wait3A_296] : memref<4x!tpu.dma_semaphore, #tpu.memory_space<semaphore_mem>> -> memref<1x!tpu.dma_semaphore, #tpu.memory_space<semaphore_mem>>
      %dma_wait3A_308 = tpu.memref_squeeze %dma_wait3A_307 : memref<1x!tpu.dma_semaphore, #tpu.memory_space<semaphore_mem>> -> memref<!tpu.dma_semaphore, #tpu.memory_space<semaphore_mem>>
      tpu.wait_indirect_dma semaphore(%dma_wait3A_308 : memref<!tpu.dma_semaphore, #tpu.memory_space<semaphore_mem>>) src(%dma_wait3A_306 : memref<1000000x128xf32, #tpu.memory_space<hbm>>) dst(%dma_wait3A_300 : memref<92x128xf32, #tpu.memory_space<vmem>>)
      %add3A_309 = arith.addi %mul3A_2, %mul3A_93 : i32
      %add3A_310 = arith.constant 1 : i32
      %add3A_311 = arith.addi %add3A_309, %add3A_310 : i32
      %dma_start3A_312 = arith.constant 1 : i32
      %dma_start3A_313 = arith.constant 1 : i32
      %dma_start3A_314 = arith.constant 0 : i32
      %dma_start3A_315 = arith.constant 0 : i32
      %dma_start3A_316 = tpu.memref_slice %arg6[%dma_start3A_312, %dma_start3A_314, %dma_start3A_315] : memref<4x224x128xf32, #tpu.memory_space<vmem>> -> memref<1x224x128xf32, #tpu.memory_space<vmem>>
      %dma_start3A_317 = tpu.memref_squeeze %dma_start3A_316 : memref<1x224x128xf32, #tpu.memory_space<vmem>> -> memref<224x128xf32, #tpu.memory_space<vmem>>
      %dma_start3A_318 = arith.constant 0 : i32
      %dma_start3A_319 = arith.constant 0 : i32
      %dma_start3A_320 = tpu.memref_slice %arg4[%add3A_311, %dma_start3A_318, %dma_start3A_319] : memref<1024x224x128xf32, #tpu.memory_space<hbm>> -> memref<1x224x128xf32, #tpu.memory_space<hbm>>
      %dma_start3A_321 = tpu.memref_squeeze %dma_start3A_320 : memref<1x224x128xf32, #tpu.memory_space<hbm>> -> memref<224x128xf32, #tpu.memory_space<hbm>>
      %dma_start3A_322 = tpu.memref_slice %arg8[%dma_start3A_313] : memref<4x!tpu.dma_semaphore, #tpu.memory_space<semaphore_mem>> -> memref<1x!tpu.dma_semaphore, #tpu.memory_space<semaphore_mem>>
      %dma_start3A_323 = tpu.memref_squeeze %dma_start3A_322 : memref<1x!tpu.dma_semaphore, #tpu.memory_space<semaphore_mem>> -> memref<!tpu.dma_semaphore, #tpu.memory_space<semaphore_mem>>
      %dma_start3A_324 = arith.constant 0 : i32
      %dma_start3A_325 = arith.constant 0 : i32
      %dma_start3A_326 = tpu.memref_slice %arg4[%add3A_311, %dma_start3A_324, %dma_start3A_325] : memref<1024x224x128xf32, #tpu.memory_space<hbm>> -> memref<1x224x128xf32, #tpu.memory_space<hbm>>
      %dma_start3A_327 = tpu.memref_squeeze %dma_start3A_326 : memref<1x224x128xf32, #tpu.memory_space<hbm>> -> memref<224x128xf32, #tpu.memory_space<hbm>>
      %dma_start3A_328 = arith.constant 0 : i32
      %dma_start3A_329 = arith.constant 0 : i32
      %dma_start3A_330 = tpu.memref_slice %arg6[%dma_start3A_312, %dma_start3A_328, %dma_start3A_329] : memref<4x224x128xf32, #tpu.memory_space<vmem>> -> memref<1x224x128xf32, #tpu.memory_space<vmem>>
      %dma_start3A_331 = tpu.memref_squeeze %dma_start3A_330 : memref<1x224x128xf32, #tpu.memory_space<vmem>> -> memref<224x128xf32, #tpu.memory_space<vmem>>
      tpu.enqueue_dma source(%dma_start3A_331 : memref<224x128xf32, #tpu.memory_space<vmem>>) target(%dma_start3A_327 : memref<224x128xf32, #tpu.memory_space<hbm>>) target_semaphore(%dma_start3A_323 : memref<!tpu.dma_semaphore, #tpu.memory_space<semaphore_mem>>)
      %dma_wait3A_332 = arith.constant 2 : i32
      %dma_wait3A_333 = arith.constant 2 : i32
      %dma_wait3A_334 = arith.constant 0 : i32
      %dma_wait3A_335 = arith.constant 0 : i32
      %dma_wait3A_336 = tpu.memref_slice %arg6[%dma_wait3A_332, %dma_wait3A_334, %dma_wait3A_335] : memref<4x224x128xf32, #tpu.memory_space<vmem>> -> memref<1x128x128xf32, #tpu.memory_space<vmem>>
      %dma_wait3A_337 = tpu.memref_squeeze %dma_wait3A_336 : memref<1x128x128xf32, #tpu.memory_space<vmem>> -> memref<128x128xf32, #tpu.memory_space<vmem>>
      %dma_wait3A_338 = arith.constant 0 : i32
      %dma_wait3A_339 = tpu.memref_slice %arg5[%add3A_166, %dma_wait3A_338] : memref<32x220xi32, #tpu.memory_space<vmem>> -> memref<1x128xi32, #tpu.memory_space<vmem>>
      %dma_wait3A_340 = tpu.memref_squeeze %dma_wait3A_339 : memref<1x128xi32, #tpu.memory_space<vmem>> -> memref<128xi32, #tpu.memory_space<vmem>>
      %dma_wait3A_341 = arith.constant 0 : i32
      %dma_wait3A_342 = arith.constant 0 : i32
      %dma_wait3A_343 = tpu.memref_slice %arg3[%dma_wait3A_341, %dma_wait3A_342] : memref<1000000x128xf32, #tpu.memory_space<hbm>> -> memref<1000000x128xf32, #tpu.memory_space<hbm>>
      %dma_wait3A_344 = tpu.memref_slice %arg7[%dma_wait3A_333] : memref<4x!tpu.dma_semaphore, #tpu.memory_space<semaphore_mem>> -> memref<1x!tpu.dma_semaphore, #tpu.memory_space<semaphore_mem>>
      %dma_wait3A_345 = tpu.memref_squeeze %dma_wait3A_344 : memref<1x!tpu.dma_semaphore, #tpu.memory_space<semaphore_mem>> -> memref<!tpu.dma_semaphore, #tpu.memory_space<semaphore_mem>>
      tpu.wait_indirect_dma semaphore(%dma_wait3A_345 : memref<!tpu.dma_semaphore, #tpu.memory_space<semaphore_mem>>) src(%dma_wait3A_343 : memref<1000000x128xf32, #tpu.memory_space<hbm>>) dst(%dma_wait3A_337 : memref<128x128xf32, #tpu.memory_space<vmem>>)
      %dma_wait3A_346 = arith.constant 2 : i32
      %dma_wait3A_347 = arith.constant 2 : i32
      %dma_wait3A_348 = arith.constant 128 : i32
      %dma_wait3A_349 = arith.constant 0 : i32
      %dma_wait3A_350 = tpu.memref_slice %arg6[%dma_wait3A_346, %dma_wait3A_348, %dma_wait3A_349] : memref<4x224x128xf32, #tpu.memory_space<vmem>> -> memref<1x92x128xf32, #tpu.memory_space<vmem>>
      %dma_wait3A_351 = tpu.memref_squeeze %dma_wait3A_350 : memref<1x92x128xf32, #tpu.memory_space<vmem>> -> memref<92x128xf32, #tpu.memory_space<vmem>>
      %dma_wait3A_352 = arith.constant 128 : i32
      %dma_wait3A_353 = tpu.memref_slice %arg5[%add3A_166, %dma_wait3A_352] : memref<32x220xi32, #tpu.memory_space<vmem>> -> memref<1x92xi32, #tpu.memory_space<vmem>>
      %dma_wait3A_354 = tpu.memref_squeeze %dma_wait3A_353 : memref<1x92xi32, #tpu.memory_space<vmem>> -> memref<92xi32, #tpu.memory_space<vmem>>
      %dma_wait3A_355 = arith.constant 0 : i32
      %dma_wait3A_356 = arith.constant 0 : i32
      %dma_wait3A_357 = tpu.memref_slice %arg3[%dma_wait3A_355, %dma_wait3A_356] : memref<1000000x128xf32, #tpu.memory_space<hbm>> -> memref<1000000x128xf32, #tpu.memory_space<hbm>>
      %dma_wait3A_358 = tpu.memref_slice %arg7[%dma_wait3A_347] : memref<4x!tpu.dma_semaphore, #tpu.memory_space<semaphore_mem>> -> memref<1x!tpu.dma_semaphore, #tpu.memory_space<semaphore_mem>>
      %dma_wait3A_359 = tpu.memref_squeeze %dma_wait3A_358 : memref<1x!tpu.dma_semaphore, #tpu.memory_space<semaphore_mem>> -> memref<!tpu.dma_semaphore, #tpu.memory_space<semaphore_mem>>
      tpu.wait_indirect_dma semaphore(%dma_wait3A_359 : memref<!tpu.dma_semaphore, #tpu.memory_space<semaphore_mem>>) src(%dma_wait3A_357 : memref<1000000x128xf32, #tpu.memory_space<hbm>>) dst(%dma_wait3A_351 : memref<92x128xf32, #tpu.memory_space<vmem>>)
      %add3A_360 = arith.addi %mul3A_2, %mul3A_93 : i32
      %add3A_361 = arith.constant 2 : i32
      %add3A_362 = arith.addi %add3A_360, %add3A_361 : i32
      %dma_start3A_363 = arith.constant 2 : i32
      %dma_start3A_364 = arith.constant 2 : i32
      %dma_start3A_365 = arith.constant 0 : i32
      %dma_start3A_366 = arith.constant 0 : i32
      %dma_start3A_367 = tpu.memref_slice %arg6[%dma_start3A_363, %dma_start3A_365, %dma_start3A_366] : memref<4x224x128xf32, #tpu.memory_space<vmem>> -> memref<1x224x128xf32, #tpu.memory_space<vmem>>
      %dma_start3A_368 = tpu.memref_squeeze %dma_start3A_367 : memref<1x224x128xf32, #tpu.memory_space<vmem>> -> memref<224x128xf32, #tpu.memory_space<vmem>>
      %dma_start3A_369 = arith.constant 0 : i32
      %dma_start3A_370 = arith.constant 0 : i32
      %dma_start3A_371 = tpu.memref_slice %arg4[%add3A_362, %dma_start3A_369, %dma_start3A_370] : memref<1024x224x128xf32, #tpu.memory_space<hbm>> -> memref<1x224x128xf32, #tpu.memory_space<hbm>>
      %dma_start3A_372 = tpu.memref_squeeze %dma_start3A_371 : memref<1x224x128xf32, #tpu.memory_space<hbm>> -> memref<224x128xf32, #tpu.memory_space<hbm>>
      %dma_start3A_373 = tpu.memref_slice %arg8[%dma_start3A_364] : memref<4x!tpu.dma_semaphore, #tpu.memory_space<semaphore_mem>> -> memref<1x!tpu.dma_semaphore, #tpu.memory_space<semaphore_mem>>
      %dma_start3A_374 = tpu.memref_squeeze %dma_start3A_373 : memref<1x!tpu.dma_semaphore, #tpu.memory_space<semaphore_mem>> -> memref<!tpu.dma_semaphore, #tpu.memory_space<semaphore_mem>>
      %dma_start3A_375 = arith.constant 0 : i32
      %dma_start3A_376 = arith.constant 0 : i32
      %dma_start3A_377 = tpu.memref_slice %arg4[%add3A_362, %dma_start3A_375, %dma_start3A_376] : memref<1024x224x128xf32, #tpu.memory_space<hbm>> -> memref<1x224x128xf32, #tpu.memory_space<hbm>>
      %dma_start3A_378 = tpu.memref_squeeze %dma_start3A_377 : memref<1x224x128xf32, #tpu.memory_space<hbm>> -> memref<224x128xf32, #tpu.memory_space<hbm>>
      %dma_start3A_379 = arith.constant 0 : i32
      %dma_start3A_380 = arith.constant 0 : i32
      %dma_start3A_381 = tpu.memref_slice %arg6[%dma_start3A_363, %dma_start3A_379, %dma_start3A_380] : memref<4x224x128xf32, #tpu.memory_space<vmem>> -> memref<1x224x128xf32, #tpu.memory_space<vmem>>
      %dma_start3A_382 = tpu.memref_squeeze %dma_start3A_381 : memref<1x224x128xf32, #tpu.memory_space<vmem>> -> memref<224x128xf32, #tpu.memory_space<vmem>>
      tpu.enqueue_dma source(%dma_start3A_382 : memref<224x128xf32, #tpu.memory_space<vmem>>) target(%dma_start3A_378 : memref<224x128xf32, #tpu.memory_space<hbm>>) target_semaphore(%dma_start3A_374 : memref<!tpu.dma_semaphore, #tpu.memory_space<semaphore_mem>>)
      %dma_wait3A_383 = arith.constant 3 : i32
      %dma_wait3A_384 = arith.constant 3 : i32
      %dma_wait3A_385 = arith.constant 0 : i32
      %dma_wait3A_386 = arith.constant 0 : i32
      %dma_wait3A_387 = tpu.memref_slice %arg6[%dma_wait3A_383, %dma_wait3A_385, %dma_wait3A_386] : memref<4x224x128xf32, #tpu.memory_space<vmem>> -> memref<1x128x128xf32, #tpu.memory_space<vmem>>
      %dma_wait3A_388 = tpu.memref_squeeze %dma_wait3A_387 : memref<1x128x128xf32, #tpu.memory_space<vmem>> -> memref<128x128xf32, #tpu.memory_space<vmem>>
      %dma_wait3A_389 = arith.constant 0 : i32
      %dma_wait3A_390 = tpu.memref_slice %arg5[%add3A_201, %dma_wait3A_389] : memref<32x220xi32, #tpu.memory_space<vmem>> -> memref<1x128xi32, #tpu.memory_space<vmem>>
      %dma_wait3A_391 = tpu.memref_squeeze %dma_wait3A_390 : memref<1x128xi32, #tpu.memory_space<vmem>> -> memref<128xi32, #tpu.memory_space<vmem>>
      %dma_wait3A_392 = arith.constant 0 : i32
      %dma_wait3A_393 = arith.constant 0 : i32
      %dma_wait3A_394 = tpu.memref_slice %arg3[%dma_wait3A_392, %dma_wait3A_393] : memref<1000000x128xf32, #tpu.memory_space<hbm>> -> memref<1000000x128xf32, #tpu.memory_space<hbm>>
      %dma_wait3A_395 = tpu.memref_slice %arg7[%dma_wait3A_384] : memref<4x!tpu.dma_semaphore, #tpu.memory_space<semaphore_mem>> -> memref<1x!tpu.dma_semaphore, #tpu.memory_space<semaphore_mem>>
      %dma_wait3A_396 = tpu.memref_squeeze %dma_wait3A_395 : memref<1x!tpu.dma_semaphore, #tpu.memory_space<semaphore_mem>> -> memref<!tpu.dma_semaphore, #tpu.memory_space<semaphore_mem>>
      tpu.wait_indirect_dma semaphore(%dma_wait3A_396 : memref<!tpu.dma_semaphore, #tpu.memory_space<semaphore_mem>>) src(%dma_wait3A_394 : memref<1000000x128xf32, #tpu.memory_space<hbm>>) dst(%dma_wait3A_388 : memref<128x128xf32, #tpu.memory_space<vmem>>)
      %dma_wait3A_397 = arith.constant 3 : i32
      %dma_wait3A_398 = arith.constant 3 : i32
      %dma_wait3A_399 = arith.constant 128 : i32
      %dma_wait3A_400 = arith.constant 0 : i32
      %dma_wait3A_401 = tpu.memref_slice %arg6[%dma_wait3A_397, %dma_wait3A_399, %dma_wait3A_400] : memref<4x224x128xf32, #tpu.memory_space<vmem>> -> memref<1x92x128xf32, #tpu.memory_space<vmem>>
      %dma_wait3A_402 = tpu.memref_squeeze %dma_wait3A_401 : memref<1x92x128xf32, #tpu.memory_space<vmem>> -> memref<92x128xf32, #tpu.memory_space<vmem>>
      %dma_wait3A_403 = arith.constant 128 : i32
      %dma_wait3A_404 = tpu.memref_slice %arg5[%add3A_201, %dma_wait3A_403] : memref<32x220xi32, #tpu.memory_space<vmem>> -> memref<1x92xi32, #tpu.memory_space<vmem>>
      %dma_wait3A_405 = tpu.memref_squeeze %dma_wait3A_404 : memref<1x92xi32, #tpu.memory_space<vmem>> -> memref<92xi32, #tpu.memory_space<vmem>>
      %dma_wait3A_406 = arith.constant 0 : i32
      %dma_wait3A_407 = arith.constant 0 : i32
      %dma_wait3A_408 = tpu.memref_slice %arg3[%dma_wait3A_406, %dma_wait3A_407] : memref<1000000x128xf32, #tpu.memory_space<hbm>> -> memref<1000000x128xf32, #tpu.memory_space<hbm>>
      %dma_wait3A_409 = tpu.memref_slice %arg7[%dma_wait3A_398] : memref<4x!tpu.dma_semaphore, #tpu.memory_space<semaphore_mem>> -> memref<1x!tpu.dma_semaphore, #tpu.memory_space<semaphore_mem>>
      %dma_wait3A_410 = tpu.memref_squeeze %dma_wait3A_409 : memref<1x!tpu.dma_semaphore, #tpu.memory_space<semaphore_mem>> -> memref<!tpu.dma_semaphore, #tpu.memory_space<semaphore_mem>>
      tpu.wait_indirect_dma semaphore(%dma_wait3A_410 : memref<!tpu.dma_semaphore, #tpu.memory_space<semaphore_mem>>) src(%dma_wait3A_408 : memref<1000000x128xf32, #tpu.memory_space<hbm>>) dst(%dma_wait3A_402 : memref<92x128xf32, #tpu.memory_space<vmem>>)
      %add3A_411 = arith.addi %mul3A_2, %mul3A_93 : i32
      %add3A_412 = arith.constant 3 : i32
      %add3A_413 = arith.addi %add3A_411, %add3A_412 : i32
      %dma_start3A_414 = arith.constant 3 : i32
      %dma_start3A_415 = arith.constant 3 : i32
      %dma_start3A_416 = arith.constant 0 : i32
      %dma_start3A_417 = arith.constant 0 : i32
      %dma_start3A_418 = tpu.memref_slice %arg6[%dma_start3A_414, %dma_start3A_416, %dma_start3A_417] : memref<4x224x128xf32, #tpu.memory_space<vmem>> -> memref<1x224x128xf32, #tpu.memory_space<vmem>>
      %dma_start3A_419 = tpu.memref_squeeze %dma_start3A_418 : memref<1x224x128xf32, #tpu.memory_space<vmem>> -> memref<224x128xf32, #tpu.memory_space<vmem>>
      %dma_start3A_420 = arith.constant 0 : i32
      %dma_start3A_421 = arith.constant 0 : i32
      %dma_start3A_422 = tpu.memref_slice %arg4[%add3A_413, %dma_start3A_420, %dma_start3A_421] : memref<1024x224x128xf32, #tpu.memory_space<hbm>> -> memref<1x224x128xf32, #tpu.memory_space<hbm>>
      %dma_start3A_423 = tpu.memref_squeeze %dma_start3A_422 : memref<1x224x128xf32, #tpu.memory_space<hbm>> -> memref<224x128xf32, #tpu.memory_space<hbm>>
      %dma_start3A_424 = tpu.memref_slice %arg8[%dma_start3A_415] : memref<4x!tpu.dma_semaphore, #tpu.memory_space<semaphore_mem>> -> memref<1x!tpu.dma_semaphore, #tpu.memory_space<semaphore_mem>>
      %dma_start3A_425 = tpu.memref_squeeze %dma_start3A_424 : memref<1x!tpu.dma_semaphore, #tpu.memory_space<semaphore_mem>> -> memref<!tpu.dma_semaphore, #tpu.memory_space<semaphore_mem>>
      %dma_start3A_426 = arith.constant 0 : i32
      %dma_start3A_427 = arith.constant 0 : i32
      %dma_start3A_428 = tpu.memref_slice %arg4[%add3A_413, %dma_start3A_426, %dma_start3A_427] : memref<1024x224x128xf32, #tpu.memory_space<hbm>> -> memref<1x224x128xf32, #tpu.memory_space<hbm>>
      %dma_start3A_429 = tpu.memref_squeeze %dma_start3A_428 : memref<1x224x128xf32, #tpu.memory_space<hbm>> -> memref<224x128xf32, #tpu.memory_space<hbm>>
      %dma_start3A_430 = arith.constant 0 : i32
      %dma_start3A_431 = arith.constant 0 : i32
      %dma_start3A_432 = tpu.memref_slice %arg6[%dma_start3A_414, %dma_start3A_430, %dma_start3A_431] : memref<4x224x128xf32, #tpu.memory_space<vmem>> -> memref<1x224x128xf32, #tpu.memory_space<vmem>>
      %dma_start3A_433 = tpu.memref_squeeze %dma_start3A_432 : memref<1x224x128xf32, #tpu.memory_space<vmem>> -> memref<224x128xf32, #tpu.memory_space<vmem>>
      tpu.enqueue_dma source(%dma_start3A_433 : memref<224x128xf32, #tpu.memory_space<vmem>>) target(%dma_start3A_429 : memref<224x128xf32, #tpu.memory_space<hbm>>) target_semaphore(%dma_start3A_425 : memref<!tpu.dma_semaphore, #tpu.memory_space<semaphore_mem>>)
    }
    %scan3A_7 = arith.constant 8 : i32
    %dma_wait3A = arith.constant 0 : i32
    %dma_wait3A_8 = arith.constant 0 : i32
    %dma_wait3A_9 = arith.constant 0 : i32
    %dma_wait3A_10 = arith.constant 0 : i32
    %dma_wait3A_11 = arith.constant 0 : i32
    %dma_wait3A_12 = tpu.memref_slice %arg6[%dma_wait3A, %dma_wait3A_10, %dma_wait3A_11] : memref<4x224x128xf32, #tpu.memory_space<vmem>> -> memref<1x224x128xf32, #tpu.memory_space<vmem>>
    %dma_wait3A_13 = tpu.memref_squeeze %dma_wait3A_12 : memref<1x224x128xf32, #tpu.memory_space<vmem>> -> memref<224x128xf32, #tpu.memory_space<vmem>>
    %dma_wait3A_14 = arith.constant 0 : i32
    %dma_wait3A_15 = arith.constant 0 : i32
    %dma_wait3A_16 = tpu.memref_slice %arg4[%dma_wait3A_8, %dma_wait3A_14, %dma_wait3A_15] : memref<1024x224x128xf32, #tpu.memory_space<hbm>> -> memref<1x224x128xf32, #tpu.memory_space<hbm>>
    %dma_wait3A_17 = tpu.memref_squeeze %dma_wait3A_16 : memref<1x224x128xf32, #tpu.memory_space<hbm>> -> memref<224x128xf32, #tpu.memory_space<hbm>>
    %dma_wait3A_18 = tpu.memref_slice %arg8[%dma_wait3A_9] : memref<4x!tpu.dma_semaphore, #tpu.memory_space<semaphore_mem>> -> memref<1x!tpu.dma_semaphore, #tpu.memory_space<semaphore_mem>>
    %dma_wait3A_19 = tpu.memref_squeeze %dma_wait3A_18 : memref<1x!tpu.dma_semaphore, #tpu.memory_space<semaphore_mem>> -> memref<!tpu.dma_semaphore, #tpu.memory_space<semaphore_mem>>
    %dma_wait3A_20 = arith.constant 0 : i32
    %dma_wait3A_21 = arith.constant 0 : i32
    %dma_wait3A_22 = tpu.memref_slice %arg4[%dma_wait3A_8, %dma_wait3A_20, %dma_wait3A_21] : memref<1024x224x128xf32, #tpu.memory_space<hbm>> -> memref<1x224x128xf32, #tpu.memory_space<hbm>>
    %dma_wait3A_23 = tpu.memref_squeeze %dma_wait3A_22 : memref<1x224x128xf32, #tpu.memory_space<hbm>> -> memref<224x128xf32, #tpu.memory_space<hbm>>
    %dma_wait3A_24 = arith.constant 0 : i32
    %dma_wait3A_25 = arith.constant 0 : i32
    %dma_wait3A_26 = tpu.memref_slice %arg6[%dma_wait3A, %dma_wait3A_24, %dma_wait3A_25] : memref<4x224x128xf32, #tpu.memory_space<vmem>> -> memref<1x224x128xf32, #tpu.memory_space<vmem>>
    %dma_wait3A_27 = tpu.memref_squeeze %dma_wait3A_26 : memref<1x224x128xf32, #tpu.memory_space<vmem>> -> memref<224x128xf32, #tpu.memory_space<vmem>>
    tpu.wait_dma2 semaphore(%dma_wait3A_19 : memref<!tpu.dma_semaphore, #tpu.memory_space<semaphore_mem>>) src(%dma_wait3A_27 : memref<224x128xf32, #tpu.memory_space<vmem>>) dst(%dma_wait3A_23 : memref<224x128xf32, #tpu.memory_space<hbm>>)
    %dma_wait3A_28 = arith.constant 1 : i32
    %dma_wait3A_29 = arith.constant 0 : i32
    %dma_wait3A_30 = arith.constant 1 : i32
    %dma_wait3A_31 = arith.constant 0 : i32
    %dma_wait3A_32 = arith.constant 0 : i32
    %dma_wait3A_33 = tpu.memref_slice %arg6[%dma_wait3A_28, %dma_wait3A_31, %dma_wait3A_32] : memref<4x224x128xf32, #tpu.memory_space<vmem>> -> memref<1x224x128xf32, #tpu.memory_space<vmem>>
    %dma_wait3A_34 = tpu.memref_squeeze %dma_wait3A_33 : memref<1x224x128xf32, #tpu.memory_space<vmem>> -> memref<224x128xf32, #tpu.memory_space<vmem>>
    %dma_wait3A_35 = arith.constant 0 : i32
    %dma_wait3A_36 = arith.constant 0 : i32
    %dma_wait3A_37 = tpu.memref_slice %arg4[%dma_wait3A_29, %dma_wait3A_35, %dma_wait3A_36] : memref<1024x224x128xf32, #tpu.memory_space<hbm>> -> memref<1x224x128xf32, #tpu.memory_space<hbm>>
    %dma_wait3A_38 = tpu.memref_squeeze %dma_wait3A_37 : memref<1x224x128xf32, #tpu.memory_space<hbm>> -> memref<224x128xf32, #tpu.memory_space<hbm>>
    %dma_wait3A_39 = tpu.memref_slice %arg8[%dma_wait3A_30] : memref<4x!tpu.dma_semaphore, #tpu.memory_space<semaphore_mem>> -> memref<1x!tpu.dma_semaphore, #tpu.memory_space<semaphore_mem>>
    %dma_wait3A_40 = tpu.memref_squeeze %dma_wait3A_39 : memref<1x!tpu.dma_semaphore, #tpu.memory_space<semaphore_mem>> -> memref<!tpu.dma_semaphore, #tpu.memory_space<semaphore_mem>>
    %dma_wait3A_41 = arith.constant 0 : i32
    %dma_wait3A_42 = arith.constant 0 : i32
    %dma_wait3A_43 = tpu.memref_slice %arg4[%dma_wait3A_29, %dma_wait3A_41, %dma_wait3A_42] : memref<1024x224x128xf32, #tpu.memory_space<hbm>> -> memref<1x224x128xf32, #tpu.memory_space<hbm>>
    %dma_wait3A_44 = tpu.memref_squeeze %dma_wait3A_43 : memref<1x224x128xf32, #tpu.memory_space<hbm>> -> memref<224x128xf32, #tpu.memory_space<hbm>>
    %dma_wait3A_45 = arith.constant 0 : i32
    %dma_wait3A_46 = arith.constant 0 : i32
    %dma_wait3A_47 = tpu.memref_slice %arg6[%dma_wait3A_28, %dma_wait3A_45, %dma_wait3A_46] : memref<4x224x128xf32, #tpu.memory_space<vmem>> -> memref<1x224x128xf32, #tpu.memory_space<vmem>>
    %dma_wait3A_48 = tpu.memref_squeeze %dma_wait3A_47 : memref<1x224x128xf32, #tpu.memory_space<vmem>> -> memref<224x128xf32, #tpu.memory_space<vmem>>
    tpu.wait_dma2 semaphore(%dma_wait3A_40 : memref<!tpu.dma_semaphore, #tpu.memory_space<semaphore_mem>>) src(%dma_wait3A_48 : memref<224x128xf32, #tpu.memory_space<vmem>>) dst(%dma_wait3A_44 : memref<224x128xf32, #tpu.memory_space<hbm>>)
    %dma_wait3A_49 = arith.constant 2 : i32
    %dma_wait3A_50 = arith.constant 0 : i32
    %dma_wait3A_51 = arith.constant 2 : i32
    %dma_wait3A_52 = arith.constant 0 : i32
    %dma_wait3A_53 = arith.constant 0 : i32
    %dma_wait3A_54 = tpu.memref_slice %arg6[%dma_wait3A_49, %dma_wait3A_52, %dma_wait3A_53] : memref<4x224x128xf32, #tpu.memory_space<vmem>> -> memref<1x224x128xf32, #tpu.memory_space<vmem>>
    %dma_wait3A_55 = tpu.memref_squeeze %dma_wait3A_54 : memref<1x224x128xf32, #tpu.memory_space<vmem>> -> memref<224x128xf32, #tpu.memory_space<vmem>>
    %dma_wait3A_56 = arith.constant 0 : i32
    %dma_wait3A_57 = arith.constant 0 : i32
    %dma_wait3A_58 = tpu.memref_slice %arg4[%dma_wait3A_50, %dma_wait3A_56, %dma_wait3A_57] : memref<1024x224x128xf32, #tpu.memory_space<hbm>> -> memref<1x224x128xf32, #tpu.memory_space<hbm>>
    %dma_wait3A_59 = tpu.memref_squeeze %dma_wait3A_58 : memref<1x224x128xf32, #tpu.memory_space<hbm>> -> memref<224x128xf32, #tpu.memory_space<hbm>>
    %dma_wait3A_60 = tpu.memref_slice %arg8[%dma_wait3A_51] : memref<4x!tpu.dma_semaphore, #tpu.memory_space<semaphore_mem>> -> memref<1x!tpu.dma_semaphore, #tpu.memory_space<semaphore_mem>>
    %dma_wait3A_61 = tpu.memref_squeeze %dma_wait3A_60 : memref<1x!tpu.dma_semaphore, #tpu.memory_space<semaphore_mem>> -> memref<!tpu.dma_semaphore, #tpu.memory_space<semaphore_mem>>
    %dma_wait3A_62 = arith.constant 0 : i32
    %dma_wait3A_63 = arith.constant 0 : i32
    %dma_wait3A_64 = tpu.memref_slice %arg4[%dma_wait3A_50, %dma_wait3A_62, %dma_wait3A_63] : memref<1024x224x128xf32, #tpu.memory_space<hbm>> -> memref<1x224x128xf32, #tpu.memory_space<hbm>>
    %dma_wait3A_65 = tpu.memref_squeeze %dma_wait3A_64 : memref<1x224x128xf32, #tpu.memory_space<hbm>> -> memref<224x128xf32, #tpu.memory_space<hbm>>
    %dma_wait3A_66 = arith.constant 0 : i32
    %dma_wait3A_67 = arith.constant 0 : i32
    %dma_wait3A_68 = tpu.memref_slice %arg6[%dma_wait3A_49, %dma_wait3A_66, %dma_wait3A_67] : memref<4x224x128xf32, #tpu.memory_space<vmem>> -> memref<1x224x128xf32, #tpu.memory_space<vmem>>
    %dma_wait3A_69 = tpu.memref_squeeze %dma_wait3A_68 : memref<1x224x128xf32, #tpu.memory_space<vmem>> -> memref<224x128xf32, #tpu.memory_space<vmem>>
    tpu.wait_dma2 semaphore(%dma_wait3A_61 : memref<!tpu.dma_semaphore, #tpu.memory_space<semaphore_mem>>) src(%dma_wait3A_69 : memref<224x128xf32, #tpu.memory_space<vmem>>) dst(%dma_wait3A_65 : memref<224x128xf32, #tpu.memory_space<hbm>>)
    %dma_wait3A_70 = arith.constant 3 : i32
    %dma_wait3A_71 = arith.constant 0 : i32
    %dma_wait3A_72 = arith.constant 3 : i32
    %dma_wait3A_73 = arith.constant 0 : i32
    %dma_wait3A_74 = arith.constant 0 : i32
    %dma_wait3A_75 = tpu.memref_slice %arg6[%dma_wait3A_70, %dma_wait3A_73, %dma_wait3A_74] : memref<4x224x128xf32, #tpu.memory_space<vmem>> -> memref<1x224x128xf32, #tpu.memory_space<vmem>>
    %dma_wait3A_76 = tpu.memref_squeeze %dma_wait3A_75 : memref<1x224x128xf32, #tpu.memory_space<vmem>> -> memref<224x128xf32, #tpu.memory_space<vmem>>
    %dma_wait3A_77 = arith.constant 0 : i32
    %dma_wait3A_78 = arith.constant 0 : i32
    %dma_wait3A_79 = tpu.memref_slice %arg4[%dma_wait3A_71, %dma_wait3A_77, %dma_wait3A_78] : memref<1024x224x128xf32, #tpu.memory_space<hbm>> -> memref<1x224x128xf32, #tpu.memory_space<hbm>>
    %dma_wait3A_80 = tpu.memref_squeeze %dma_wait3A_79 : memref<1x224x128xf32, #tpu.memory_space<hbm>> -> memref<224x128xf32, #tpu.memory_space<hbm>>
    %dma_wait3A_81 = tpu.memref_slice %arg8[%dma_wait3A_72] : memref<4x!tpu.dma_semaphore, #tpu.memory_space<semaphore_mem>> -> memref<1x!tpu.dma_semaphore, #tpu.memory_space<semaphore_mem>>
    %dma_wait3A_82 = tpu.memref_squeeze %dma_wait3A_81 : memref<1x!tpu.dma_semaphore, #tpu.memory_space<semaphore_mem>> -> memref<!tpu.dma_semaphore, #tpu.memory_space<semaphore_mem>>
    %dma_wait3A_83 = arith.constant 0 : i32
    %dma_wait3A_84 = arith.constant 0 : i32
    %dma_wait3A_85 = tpu.memref_slice %arg4[%dma_wait3A_71, %dma_wait3A_83, %dma_wait3A_84] : memref<1024x224x128xf32, #tpu.memory_space<hbm>> -> memref<1x224x128xf32, #tpu.memory_space<hbm>>
    %dma_wait3A_86 = tpu.memref_squeeze %dma_wait3A_85 : memref<1x224x128xf32, #tpu.memory_space<hbm>> -> memref<224x128xf32, #tpu.memory_space<hbm>>
    %dma_wait3A_87 = arith.constant 0 : i32
    %dma_wait3A_88 = arith.constant 0 : i32
    %dma_wait3A_89 = tpu.memref_slice %arg6[%dma_wait3A_70, %dma_wait3A_87, %dma_wait3A_88] : memref<4x224x128xf32, #tpu.memory_space<vmem>> -> memref<1x224x128xf32, #tpu.memory_space<vmem>>
    %dma_wait3A_90 = tpu.memref_squeeze %dma_wait3A_89 : memref<1x224x128xf32, #tpu.memory_space<vmem>> -> memref<224x128xf32, #tpu.memory_space<vmem>>
    tpu.wait_dma2 semaphore(%dma_wait3A_82 : memref<!tpu.dma_semaphore, #tpu.memory_space<semaphore_mem>>) src(%dma_wait3A_90 : memref<224x128xf32, #tpu.memory_space<vmem>>) dst(%dma_wait3A_86 : memref<224x128xf32, #tpu.memory_space<hbm>>)
    return
  }
}

</mosaic_0001>

<sc_bundles>
// kernel: kernel.3.cloned.1.call-start
scs
__scs_entry_jumppad:
0x0: {  	(pc) =	sbr.rel $0x88, $3  }
0x1: {  	(tag) =	ssettag $0x0;
	lr =	simm.s32 $0x1  }
0x2: {  	[smem:$0x3F9E] =	sst lr;
	_ =	strace $0xD0000000  }
0x3: {  	_ = 	snop  }
0x4: {  	_ = 	snop  }
0x5: {  	_ = 	snop  }
0x6: {  	_ = 	snop  }
0x7: {  	_ = 	snop  }
__scs_overlays_trampoline_lowered:
0x8: {  	[smem:$0x3FAD] =	sst s0  }
0x9: {  	[smem:$0x3FAE] =	sst s1  }
0xa: {  	[smem:$0x3FAF] =	sst s2  }
0xb: {  	[smem:$0x3FB0] =	sst s3  }
0xc: {  	[smem:$0x3FB1] =	sst s4  }
0xd: {  	[smem:$0x3FB2] =	sst s5  }
0xe: {  	[smem:$0x3FB3] =	sst s6  }
0xf: {  	[smem:$0x3FB4] =	sst s7  }
0x10: {  	[smem:$0x3FB5] =	sst s8  }
0x11: {  	[smem:$0x3FB6] =	sst s9;
	s0 =	simm.s32 @!p0 $0x0  }
0x12: {  	s1 =	sld [smem:$0x3F9C];
	s0 =	simm.s32 @p0 $0x1  }
0x13: {  	[smem:$0x3FB7] =	sst s0;
	s0 =	simm.s32 @!p1 $0x0  }
0x14: {  	s2 =	sld [smem:$0x3F9B];
	s0 =	simm.s32 @p1 $0x1  }
0x15: {  	[smem:$0x3FB8] =	sst s0;
	s0 =	simm.s32 @!p2 $0x0  }
0x16: {  	s3 =	sld [smem:$0x3FDB];
	s0 =	simm.s32 @p2 $0x1  }
0x17: {  	s4 =	simm.s32 $0x1BF5;
	[smem:$0x3FBA] =	sst s0  }
0x18: {  	s0 =	sld [smem:$0x3F9D];
	_ =	swait.ge [sflag:s4], $0x0  }
0x19: {  	s7 =	sld [smem:$0x3F9E]  }
0x1a: {  	s8 =	sadd.s32 $0xFFFFE003, lr  }
0x1b: {  	s9 =	sadd.s32 $0xFFFFFEF7, lr;
	s5 =	simm.s32 $0xFFFFFFFF;
	p2 =	slt.u32 s8, $0xFFFFF086  }
0x1c: {  	p1 =	slt.u32 s9, $0xF7A;
	s5 =	simm.s32 @!p2 $0x0  }
0x1d: {  	s5 =	simm.s32 @p1 $0x1;
	p0 =	seq.s32 s7, s2  }
0x1e: {  	s7 =	smul.u32 @!p0 $0xF7A, s2;
	p2 =	seq.s32 @!p0 s5, $0x0  }
0x1f: {  	s9 =	smul.u32 $0xF7A, s1;
	s8 =	simm.s32 @!p0 $0x1BF5;
	p2 =	por !p2, p0  }
0x20: {  	[sflag:s8] =	ssyncset.s32 @!p0 $0xFFFFF086;
	s6 =	sadd.s32 @!p0 s3, s7;
	s7 =	simm.s32 @!p0 $0x108  }
0x21: {  	s3 =	sadd.s32 s3, s9;
	s6 =	sadd.s32 @!p0 $0x88, s6;
	s7 =	simm.s32 @p2 $0x1082  }
0x22: {  	[simem:s7], [sflag:s8] =	dma.local @!p0 [hbm:s6], $0xF7A  }
0x23: {  	s9 =	sor.u32 $0xD0000000, s2;
	s6 =	simm.s32 $0x108;
	_ =	swait.ge @!p0 [sflag:s8], $0x0  }
0x24: {  	s3 =	sadd.s32 $0x88, s3;
	s6 =	simm.s32 @!p1 $0x1082;
	[sflag:s4] =	ssyncset.s32 $0xFFFFF086  }
0x25: {  	[simem:s6], [sflag:s4] =	dma.local [hbm:s3], $0xF7A  }
0x26: {  	[smem:$0x3F9E] =	sst s1;
	(tag) =	ssettag s2;
	_ =	strace s9  }
0x27: {  	s1 =	sld [smem:$0x3FAE]  }
0x28: {  	s2 =	sld [smem:$0x3FAF]  }
0x29: {  	s4 =	sld [smem:$0x3FB1]  }
0x2a: {  	p0 =	seq.s32 s5, $0x0;
	s5 =	sld [smem:$0x3FB2]  }
0x2b: {  	s6 =	sld [smem:$0x3FB3]  }
0x2c: {  	s7 =	sld [smem:$0x3FB4]  }
0x2d: {  	s3 =	simm.s32 $0x108;
	s8 =	sld [smem:$0x3FB5]  }
0x2e: {  	s3 =	simm.s32 @!p0 $0x1082;
	s9 =	sld [smem:$0x3FB6]  }
0x2f: {  	lr =	sadd.s32 s0, s3;
	s0 =	sld [smem:$0x3FAD]  }
0x30: {  	s3 =	sld [smem:$0x3FB0]  }
0x31: {  	[smem:$0x3FB9] =	sst s10  }
0x32: {  	s10 =	sld [smem:$0x3FB7];
	_ =	sdelay $0x3  }
0x33: {  	p0 =	seq.s32 s10, $0x1;
	s10 =	sld [smem:$0x3FB9];
	_ =	sdelay $0x3  }
0x34: {  	[smem:$0x3FB9] =	sst s10  }
0x35: {  	s10 =	sld [smem:$0x3FB8];
	_ =	sdelay $0x3  }
0x36: {  	p1 =	seq.s32 s10, $0x1;
	s10 =	sld [smem:$0x3FB9];
	_ =	sdelay $0x3  }
0x37: {  	[smem:$0x3FB9] =	sst s10  }
0x38: {  	s10 =	sld [smem:$0x3FBA]  }
0x39: {  	_ = 	snop;
	(pc) =	sbr.ind lr, $3  }
0x3a: {  	_ = 	snop  }
0x3b: {  	_ = 	snop  }
0x3c: {  	p2 =	seq.s32 s10, $0x1;
	s10 =	sld [smem:$0x3FB9]  }
0x3d: {  	_ =	shalt  }
0x3e: {  	_ =	shalt  }
0x3f: {  	_ =	shalt  }
0x40: {  	_ =	shalt  }
0x41: {  	_ =	shalt  }
0x42: {  	_ =	shalt  }
0x43: {  	_ =	shalt  }
0x44: {  	_ =	shalt  }
0x45: {  	_ =	shalt  }
0x46: {  	_ =	shalt  }
0x47: {  	_ =	shalt  }
0x48: {  	_ =	shalt  }
0x49: {  	_ =	shalt  }
0x4a: {  	_ =	shalt  }
0x4b: {  	_ =	shalt  }
0x4c: {  	_ =	shalt  }
0x4d: {  	_ =	shalt  }
0x4e: {  	_ =	shalt  }
0x4f: {  	_ =	shalt  }
0x50: {  	_ =	shalt  }
0x51: {  	_ =	shalt  }
0x52: {  	_ =	shalt  }
0x53: {  	_ =	shalt  }
0x54: {  	_ =	shalt  }
0x55: {  	_ =	shalt  }
0x56: {  	_ =	shalt  }
0x57: {  	_ =	shalt  }
0x58: {  	_ =	shalt  }
0x59: {  	_ =	shalt  }
0x5a: {  	_ =	shalt  }
0x5b: {  	_ =	shalt  }
0x5c: {  	_ =	shalt  }
0x5d: {  	_ =	shalt  }
0x5e: {  	_ =	shalt  }
0x5f: {  	_ =	shalt  }
0x60: {  	_ =	shalt  }
0x61: {  	_ =	shalt  }
0x62: {  	_ =	shalt  }
0x63: {  	_ =	shalt  }
0x64: {  	_ =	shalt  }
0x65: {  	_ =	shalt  }
0x66: {  	_ =	shalt  }
0x67: {  	_ =	shalt  }
0x68: {  	_ =	shalt  }
0x69: {  	_ =	shalt  }
0x6a: {  	_ =	shalt  }
0x6b: {  	_ =	shalt  }
0x6c: {  	_ =	shalt  }
0x6d: {  	_ =	shalt  }
0x6e: {  	_ =	shalt  }
0x6f: {  	_ =	shalt  }
0x70: {  	_ =	shalt  }
0x71: {  	_ =	shalt  }
0x72: {  	_ =	shalt  }
0x73: {  	_ =	shalt  }
0x74: {  	_ =	shalt  }
0x75: {  	_ =	shalt  }
0x76: {  	_ =	shalt  }
0x77: {  	_ =	shalt  }
0x78: {  	_ =	shalt  }
0x79: {  	_ =	shalt  }
0x7a: {  	_ =	shalt  }
0x7b: {  	_ =	shalt  }
0x7c: {  	_ =	shalt  }
0x7d: {  	_ =	shalt  }
0x7e: {  	_ =	shalt  }
0x7f: {  	_ =	shalt  }
0x80: {  	_ =	shalt  }
0x81: {  	_ =	shalt  }
0x82: {  	_ =	shalt  }
0x83: {  	_ =	shalt  }
0x84: {  	_ =	shalt  }
0x85: {  	_ =	shalt  }
0x86: {  	_ =	shalt  }
0x87: {  	_ =	shalt  }
.Lfunc_end0:
.L_simem_size_0:
called_computation.1_lowered:
.L_overlay_start_0:
0x88: {  	s2 =	sld [smem:$0x3FD9]  }
0x89: {  	s3 =	sld [smem:$0x3FFE];
	_ =	sdelay $0x1  }
0x8a: {  	s1 =	srdreg.scid  }
0x8b: {  	s0 =	sand.u32 $0x1, s1  }
0x8c: {  	s17 =	sshll.u32 s0, $0xA;
	s2 =	sadd.s32 s3, s2  }
0x8d: {  	s2 =	sadd.s32 s2, s17  }
0x8e: {  	[smem:$0x3FC5] =	sst s2  }
0x8f: {  	_ = 	snop  }
0x90: {  	s2 =	sld [smem:$0x3FD0];
	(tm) =	ssettm $0x1  }
0x91: {  	s18 =	sld [smem:$0x3FFB];
	_ =	sdelay $0x3  }
0x92: {  	_ =	strace s18  }
0x93: {  	s3 =	sld [smem:$0x3FFC];
	_ =	sdelay $0x3  }
0x94: {  	_ =	strace s3  }
0x95: {  	s3 =	sld [smem:$0x3FFD];
	_ =	sdelay $0x3  }
0x96: {  	_ =	strace s3  }
0x97: {  	_ =	strace $0x8FFFFFFF  }
0x98: {  	s19 =	sld [smem:$0x3FDB];
	_ =	sdelay $0x1  }
0x99: {  	s4 =	simm.s32 $_scs_section_size  }
0x9a: {  	s5 =	simm.s32 $_size__tile_overlayer_lowered;
	s6 =	simm.s32 $_tile_overlayer_lowered  }
0x9b: {  	s22 =	simm.s32 $0x1BFF;
	s21 =	sshll.u32 s6, $0x1;
	s3 =	sadd.s32 s4, s19  }
0x9c: {  	s7 =	simm.s32 $0x0;
	s20 =	sshll.u32 s5, $0x1;
	s5 =	sadd.s32 s21, s3  }
0x9d: {  	[timem:s7], [sflag:s22] =	dma.local [hbm:s5], s20  }
0x9e: {  	_ =	swait.ge [sflag:s22], s20  }
0x9f: {  	s4 =	ssub.s32 $0x0, s20;
	[sflag:s22] =	ssyncset.done $0x0  }
0xa0: {  	[sflag:s22] =	ssyncadd.s32 s4;
	_ =	sdelay $0x1  }
0xa1: {  	s23 =	simm.s32 $0x1B8B  }
0xa2: {  	_ =	swait.ge [sflag:s23], $0x1  }
0xa3: {  	[sflag:s23] =	ssyncset.done $0x0  }
0xa4: {  	s25 =	simm.s32 $0x1B8E;
	s24 =	sld [smem:$0x3FFE];
	[sflag:s23] =	ssyncadd.s32 $0xFFFFFFFF  }
0xa5: {  	s26 =	simm.s32 $execute0_lowered;
	[smem:$0x3FD2] =	sst s25  }
0xa6: {  	s5 =	sshll.u32 s26, $0x1;
	_ =	strace $0x80000046;
	[dreg:$0x1] =	wrdreg $0xFFFFFFFF  }
0xa7: {  	s28 =	simm.s32 $_size_execute0_lowered;
	s3 =	sadd.s32 s3, s5;
	[dreg:$0x0] =	wrdreg $0x0  }
0xa8: {  	s5 =	sshll.u32 s28, $0x1;
	[dreg:$0x2] =	wrdreg s3  }
0xa9: {  	[dreg:$0x3] =	wrdreg s5  }
0xaa: {  	[dreg:$0x4] =	wrdreg $0xC0  }
0xab: {  	_ =	task [dreg:s7], $0x5FFFF  }
0xac: {  	[dreg:$0x1] =	wrdreg $0xFFFFFFFF  }
0xad: {  	[dreg:$0x0] =	wrdreg $0x60  }
0xae: {  	[dreg:$0x2] =	wrdreg s2  }
0xaf: {  	[dreg:$0x3] =	wrdreg s24  }
0xb0: {  	[dreg:$0x4] =	wrdreg $0x9  }
0xb1: {  	_ =	task.clear_ibuf [dreg:s7], $0x5FFFF;
	_ =	strace $0x90000046  }
0xb2: {  	s29 =	simm.s32 $0x9;
	_ =	strace $0x80000048  }
0xb3: {  	_ =	swait.ge [sflag:s29], $0x1  }
0xb4: {  	[sflag:s29] =	ssyncadd.s32 $0xFFFFFFFF  }
0xb5: {  	_ =	strace $0x90000048  }
0xb6: {  	_ =	sfence  }
0xb7: {  	s30 =	sld [smem:$0x0];
	_ =	sdelay $0x2  }
0xb8: {  	s31 =	sshll.u32 s1, $0xD;
	s1 =	sshrl.u32 s1, $0x2  }
0xb9: {  	s3 =	sand.u32 $0x4000, s31;
	s1 =	sadd.s32 s1, s30  }
0xba: {  	s0 =	sor.u32 s3, s0;
	s1 =	sshll.u32 s1, $0x11  }
0xbb: {  	s0 =	sor.u32 s1, s0  }
0xbc: {  	s0 =	sadd.s32 $0x8F2B, s0  }
0xbd: {  	[sflag:s0] =	ssyncadd.remote.s32 $0x1  }
0xbe: {  	_ =	sfence.sel $0xFFFF  }
0xbf: {  	[dreg:$0x0] =	wrdreg $0xFFFFFFFF;
	(pc) =	sbr.abs _section_cstart, $3  }
0xc0: {  	[dreg:$0x1] =	wrdreg $0xFFFFFFFF  }
0xc1: {  	_ =	task.clear_ibuf [dreg:s7], $0x2FFFF;
	_ =	strace $0x9FFFFFFF  }
0xc2: {  	(tm) =	ssettm $0x7FFFFFFF  }
0xc3: {  	_ =	shalt  }
tec
execute0_lowered:
.L_overlay_start_1:
0x0: {  	(tag) =	ssettag $0x1  }
0x1: {  	s4 =	rddreg [dreg:$0x0]  }
0x2: {  	s5 =	rddreg [dreg:$0x1]  }
0x3: {  	s2 =	simm.s32 $0x0;
	s3 =	srdreg.scid;
	s0 =	stileid.u32  }
0x4: {  	s12 =	simm.s32 $0x80;
	s29 =	simm.s32 $0x5C;
	s30 =	simm.s32 $0x1AC00  }
0x5: {  	s31 =	simm.s32 $0x1C00;
	s13 =	simm.s32 $0x8C00;
	s15 =	simm.s32 $0xFC00  }
0x6: {  	s14 =	simm.s32 $0x3;
	s16 =	simm.s32 $0x5;
	s17 =	simm.s32 $0x6  }
0x7: {  	s18 =	simm.s32 $0x7;
	s19 =	simm.s32 $0x8;
	s20 =	simm.s32 $0x0  }
0x8: {  	[smem:$0x7FF] =	sst s2;
	s9 =	sand.u32 $0x1, s3;
	s21 =	sshll.u32 s0, $0x6  }
0x9: {  	s7 =	smul.u32 $0x1C0000, s0;
	_ =	strace $0x80000047;
	[dreg:$0x3] =	wrdreg s12  }
0xa: {  	s3 =	sadd.s32 $0xF43000, s5;
	s11 =	sadd.s32 $0xC00, s5;
	[dreg:$0x5] =	wrdreg s29  }
0xb: {  	s28 =	smul.u32 $0x38000, s0;
	s6 =	sshll.u32 s9, $0x5;
	[dreg:$0x4] =	wrdreg s30  }
0xc: {  	s8 =	smul.u32 $0xE0000, s9;
	s10 =	ssub.s32 $0x2, s9;
	[dreg:$0x6] =	wrdreg s31  }
0xd: {  	s9 =	smul.u32 $0x1C000, s9;
	s12 =	simm.s32 $0x1;
	[dreg:$0x7] =	wrdreg s13  }
0xe: {  	s13 =	simm.s32 $0x2;
	[dreg:$0x8] =	wrdreg s15;
	s6 =	sor.u32 s6, s21  }
0xf: {  	s15 =	simm.s32 $0x4;
	s22 =	sshrl.u32 s10, $0x1;
	s6 =	smul.u32 $0x1C, s6  }
0x10: {  	s7 =	sadd.s32 s8, s7;
	s5 =	ssub.s32 s10, s22;
	s10 =	sadd.s32 s28, s11  }
0x11: {  	s23 =	sor.u32 $0x15000, s7;
	s24 =	smax.u32 s5, $0x1;
	s8 =	sor.u32 $0xE000, s7  }
0x12: {  	s25 =	sor.u32 $0x7000, s7;
	s9 =	sadd.s32 s9, s10;
	s1 =	sadd.s32 s4, s6  }
0x13: {  	[dreg:$0xa] =	wrdreg s24;
	s6 =	sshrl.u32 s23, $0x3;
	s8 =	sshrl.u32 s8, $0x3  }
0x14: {  	s26 =	sshrl.u32 s25, $0x3;
	[dreg:$0x9] =	wrdreg s1;
	s6 =	sadd.s32 s6, s11  }
0x15: {  	s7 =	sadd.s32 s8, s11;
	s8 =	sadd.s32 s26, s11;
	s11 =	simm.s32 $0x16C00  }
.LBB2_1:
0x16: {  	s0 =	rddreg [dreg:$0x9];
	s4 =	simm.s32 $0x9  }
0x17: {  	[tilespmem:s2], [sflag:$0x9] =	stream.linear.gather [hbm4b:s0+s2], $0x1C00, $0x38;
	[tilespmem:$0x1DC00] =	vst v63  }
0x18: {  	_ =	swait.ge [sflag:s4], $0x1C00  }
0x19: {  	p0 =	por $0x0, $0x0;
	[sflag:s4] =	ssyncset.done $0x0  }
0x1a: {  	s21 =	simm.s32 @p0 $0x5;
	[sflag:s4] =	ssyncadd.s32 $0xFFFFE400  }
0x1b: {  	_ =	swait.ge @p0 [sflag:s21], $0x7000  }
0x1c: {  	s22 =	simm.s32 @p0 $0x6;
	s23 =	simm.s32 @p0 $0x1C00;
	[sflag:s21] =	ssyncset.done @p0 $0x0  }
0x1d: {  	s24 =	simm.s32 @p0 $0x80;
	[sflag:s21] =	ssyncadd.s32 @p0 $0xFFFF9000;
	s21 =	simm.s32 @p0 $0x0  }
0x1e: {  	[tilespmem:s23], [sflag:$0x1] =	stream.indirect.gather @p0 [hbm4b:s3+s24], $0x80, s21, s24, $0xb8;
	[tilespmem:$0x1DC00] =	vst v63  }
0x1f: {  	s25 =	simm.s32 @p0 $0x80;
	s26 =	simm.s32 @p0 $0x5C;
	s23 =	simm.s32 @p0 $0x5C00  }
0x20: {  	[tilespmem:s23], [sflag:$0x1] =	stream.indirect.gather @p0 [hbm4b:s3+s26], $0x80, s25, s26, $0xb8;
	[tilespmem:$0x1DC00] =	vst v63  }
0x21: {  	_ =	swait.ge @p0 [sflag:s22], $0x7000  }
0x22: {  	[sflag:s22] =	ssyncset.done @p0 $0x0  }
0x23: {  	s23 =	simm.s32 @p0 $0xE0;
	[sflag:s22] =	ssyncadd.s32 @p0 $0xFFFF9000;
	s22 =	simm.s32 @p0 $0x8C00  }
0x24: {  	[tilespmem:s22], [sflag:$0x2] =	stream.indirect.gather @p0 [hbm4b:s3+s24], $0x80, s23, s24, $0xb8;
	[tilespmem:$0x1DC00] =	vst v63  }
0x25: {  	s25 =	simm.s32 @p0 $0x7;
	s22 =	simm.s32 @p0 $0x160;
	s23 =	simm.s32 @p0 $0xCC00  }
0x26: {  	[tilespmem:s23], [sflag:$0x2] =	stream.indirect.gather @p0 [hbm4b:s3+s26], $0x80, s22, s26, $0xb8;
	[tilespmem:$0x1DC00] =	vst v63  }
0x27: {  	_ =	swait.ge @p0 [sflag:s25], $0x7000  }
0x28: {  	[sflag:s25] =	ssyncset.done @p0 $0x0  }
0x29: {  	s22 =	simm.s32 @p0 $0x1C0;
	s23 =	simm.s32 @p0 $0xFC00;
	[sflag:s25] =	ssyncadd.s32 @p0 $0xFFFF9000  }
0x2a: {  	[tilespmem:s23], [sflag:$0x3] =	stream.indirect.gather @p0 [hbm4b:s3+s24], $0x80, s22, s24, $0xb8;
	[tilespmem:$0x1DC00] =	vst v63  }
0x2b: {  	s22 =	simm.s32 @p0 $0x240;
	s23 =	simm.s32 @p0 $0x13C00;
	s24 =	simm.s32 @p0 $0x8  }
0x2c: {  	[tilespmem:s23], [sflag:$0x3] =	stream.indirect.gather @p0 [hbm4b:s3+s26], $0x80, s22, s26, $0xb8;
	[tilespmem:$0x1DC00] =	vst v63  }
0x2d: {  	_ =	swait.ge @p0 [sflag:s24], $0x7000  }
0x2e: {  	s22 =	simm.s32 @!p0 $0x1C00;
	[sflag:s24] =	ssyncset.done @p0 $0x0  }
0x2f: {  	s23 =	simm.s32 @!p0 $0x80;
	[sflag:s24] =	ssyncadd.s32 @p0 $0xFFFF9000;
	s24 =	simm.s32 @!p0 $0x0  }
0x30: {  	[tilespmem:s22], [sflag:$0x1] =	stream.indirect.gather @!p0 [hbm4b:s3+s23], $0x80, s24, s23, $0xb8;
	[tilespmem:$0x1DC00] =	vst v63  }
0x31: {  	s22 =	simm.s32 @!p0 $0x5C;
	s24 =	simm.s32 @!p0 $0x5C00  }
0x32: {  	[tilespmem:s24], [sflag:$0x1] =	stream.indirect.gather @!p0 [hbm4b:s3+s22], $0x80, s23, s22, $0xb8;
	[tilespmem:$0x1DC00] =	vst v63  }
0x33: {  	s25 =	simm.s32 @!p0 $0x8C00;
	s24 =	simm.s32 @!p0 $0xE0  }
0x34: {  	[tilespmem:s25], [sflag:$0x2] =	stream.indirect.gather @!p0 [hbm4b:s3+s23], $0x80, s24, s23, $0xb8;
	[tilespmem:$0x1DC00] =	vst v63  }
0x35: {  	s24 =	simm.s32 @!p0 $0x160;
	s25 =	simm.s32 @!p0 $0xCC00  }
0x36: {  	[tilespmem:s25], [sflag:$0x2] =	stream.indirect.gather @!p0 [hbm4b:s3+s22], $0x80, s24, s22, $0xb8;
	[tilespmem:$0x1DC00] =	vst v63  }
0x37: {  	s21 =	simm.s32 @!p0 $0x0;
	s24 =	simm.s32 @!p0 $0x1C0;
	s25 =	simm.s32 @!p0 $0xFC00  }
0x38: {  	[tilespmem:s25], [sflag:$0x3] =	stream.indirect.gather @!p0 [hbm4b:s3+s23], $0x80, s24, s23, $0xb8;
	[tilespmem:$0x1DC00] =	vst v63  }
0x39: {  	s5 =	rddreg [dreg:$0x5];
	s23 =	simm.s32 @!p0 $0x240;
	s24 =	simm.s32 @!p0 $0x13C00  }
0x3a: {  	[tilespmem:s24], [sflag:$0x3] =	stream.indirect.gather @!p0 [hbm4b:s3+s22], $0x80, s23, s22, $0xb8;
	[tilespmem:$0x1DC00] =	vst v63  }
0x3b: {  	s10 =	rddreg [dreg:$0x3];
	s23 =	sadd.s32 $0x2A0, s21  }
0x3c: {  	[tilespmem:s11], [sflag:$0x4] =	stream.indirect.gather [hbm4b:s3+s10], $0x80, s23, s10, $0xb8;
	[tilespmem:$0x1DC00] =	vst v63  }
0x3d: {  	s24 =	rddreg [dreg:$0x4];
	s21 =	sadd.s32 $0x320, s21  }
0x3e: {  	[tilespmem:s24], [sflag:$0x4] =	stream.indirect.gather [hbm4b:s3+s5], $0x80, s21, s5, $0xb8;
	[tilespmem:$0x1DC00] =	vst v63  }
0x3f: {  	_ =	swait.ge [sflag:s12], $0x4000  }
0x40: {  	[sflag:s12] =	ssyncset.done $0x0  }
0x41: {  	[sflag:s12] =	ssyncadd.s32 $0xFFFFC000  }
0x42: {  	_ =	swait.ge [sflag:s12], $0x2E00  }
0x43: {  	[sflag:s12] =	ssyncset.done $0x0  }
0x44: {  	s29 =	rddreg [dreg:$0x6];
	[sflag:s12] =	ssyncadd.s32 $0xFFFFD200  }
0x45: {  	[hbm4b:s9+s2] =	stream.linear.scatter [tilespmem:s29], [sflag:$0x5], $0x7000, $0x38;
	[tilespmem:$0x1DC00] =	vst v63  }
0x46: {  	_ =	swait.ge [sflag:s13], $0x4000  }
0x47: {  	[sflag:s13] =	ssyncset.done $0x0  }
0x48: {  	[sflag:s13] =	ssyncadd.s32 $0xFFFFC000  }
0x49: {  	_ =	swait.ge [sflag:s13], $0x2E00  }
0x4a: {  	[sflag:s13] =	ssyncset.done $0x0  }
0x4b: {  	s30 =	rddreg [dreg:$0x7];
	[sflag:s13] =	ssyncadd.s32 $0xFFFFD200  }
0x4c: {  	[hbm4b:s8+s2] =	stream.linear.scatter [tilespmem:s30], [sflag:$0x6], $0x7000, $0x38;
	[tilespmem:$0x1DC00] =	vst v63  }
0x4d: {  	_ =	swait.ge [sflag:s14], $0x4000  }
0x4e: {  	[sflag:s14] =	ssyncset.done $0x0  }
0x4f: {  	[sflag:s14] =	ssyncadd.s32 $0xFFFFC000  }
0x50: {  	_ =	swait.ge [sflag:s14], $0x2E00  }
0x51: {  	[sflag:s14] =	ssyncset.done $0x0  }
0x52: {  	s31 =	rddreg [dreg:$0x8];
	[sflag:s14] =	ssyncadd.s32 $0xFFFFD200  }
0x53: {  	[hbm4b:s7+s2] =	stream.linear.scatter [tilespmem:s31], [sflag:$0x7], $0x7000, $0x38;
	[tilespmem:$0x1DC00] =	vst v63  }
0x54: {  	_ =	swait.ge [sflag:s15], $0x4000  }
0x55: {  	s28 =	smov.u32 s6;
	s26 =	simm.s32 $0xE00;
	[sflag:s15] =	ssyncset.done $0x0  }
0x56: {  	s25 =	simm.s32 $0x1C00;
	s22 =	sadd.s32 $0x3800, s7;
	[sflag:s15] =	ssyncadd.s32 $0xFFFFC000  }
0x57: {  	p0 =	por $0x1, $0x1;
	s23 =	sadd.s32 $0x3800, s8;
	_ =	swait.ge [sflag:s15], $0x2E00  }
0x58: {  	s24 =	sadd.s32 $0x3800, s9;
	s21 =	sadd.s32 $0x3800, s6;
	[sflag:s15] =	ssyncset.done $0x0  }
.LBB2_2:
0x59: {  	s29 =	simm.s32 @p0 $0x5;
	[sflag:s15] =	ssyncadd.s32 $0xFFFFD200  }
0x5a: {  	[hbm4b:s28+s2] =	stream.linear.scatter [tilespmem:s11], [sflag:$0x8], $0x7000, $0x38;
	[tilespmem:$0x1DC00] =	vst v63  }
0x5b: {  	_ =	swait.ge @p0 [sflag:s29], $0x7000  }
0x5c: {  	s31 =	simm.s32 @p0 $0x1C00;
	s0 =	simm.s32 @p0 $0x5C00;
	[sflag:s29] =	ssyncset.done @p0 $0x0  }
0x5d: {  	s1 =	simm.s32 @p0 $0x80;
	[sflag:s29] =	ssyncadd.s32 @p0 $0xFFFF9000;
	s29 =	sshra.s32 @p0 s26, $0x2  }
0x5e: {  	[tilespmem:s31], [sflag:$0x1] =	stream.indirect.gather @p0 [hbm4b:s3+s1], $0x80, s29, s1, $0xb8;
	[tilespmem:$0x1DC00] =	vst v63  }
0x5f: {  	s28 =	simm.s32 @p0 $0x6;
	s26 =	sadd.s32 @p0 $0x80, s29;
	s31 =	simm.s32 @p0 $0x5C  }
0x60: {  	[tilespmem:s0], [sflag:$0x1] =	stream.indirect.gather @p0 [hbm4b:s3+s31], $0x80, s26, s31, $0xb8;
	[tilespmem:$0x1DC00] =	vst v63  }
0x61: {  	_ =	swait.ge @p0 [sflag:s28], $0x7000  }
0x62: {  	s30 =	smov.u32 s25;
	s4 =	sadd.s32 @p0 $0xE0, s29;
	[sflag:s28] =	ssyncset.done @p0 $0x0  }
0x63: {  	s0 =	sadd.s32 @p0 $0x160, s29;
	[sflag:s28] =	ssyncadd.s32 @p0 $0xFFFF9000;
	s28 =	simm.s32 @p0 $0x8C00  }
0x64: {  	[tilespmem:s28], [sflag:$0x2] =	stream.indirect.gather @p0 [hbm4b:s3+s1], $0x80, s4, s1, $0xb8;
	[tilespmem:$0x1DC00] =	vst v63  }
0x65: {  	s26 =	smov.u32 s30;
	s30 =	simm.s32 @p0 $0x7;
	s4 =	simm.s32 @p0 $0xCC00  }
0x66: {  	[tilespmem:s4], [sflag:$0x2] =	stream.indirect.gather @p0 [hbm4b:s3+s31], $0x80, s0, s31, $0xb8;
	[tilespmem:$0x1DC00] =	vst v63  }
0x67: {  	_ =	swait.ge @p0 [sflag:s30], $0x7000  }
0x68: {  	[sflag:s30] =	ssyncset.done @p0 $0x0  }
0x69: {  	s5 =	sadd.s32 @p0 $0x1C0, s29;
	s0 =	simm.s32 @p0 $0xFC00;
	[sflag:s30] =	ssyncadd.s32 @p0 $0xFFFF9000  }
0x6a: {  	[tilespmem:s0], [sflag:$0x3] =	stream.indirect.gather @p0 [hbm4b:s3+s1], $0x80, s5, s1, $0xb8;
	[tilespmem:$0x1DC00] =	vst v63  }
0x6b: {  	s10 =	sadd.s32 @p0 $0x240, s29;
	s0 =	simm.s32 @p0 $0x13C00;
	s1 =	simm.s32 @p0 $0x8  }
0x6c: {  	[tilespmem:s0], [sflag:$0x3] =	stream.indirect.gather @p0 [hbm4b:s3+s31], $0x80, s10, s31, $0xb8;
	[tilespmem:$0x1DC00] =	vst v63  }
0x6d: {  	_ =	swait.ge @p0 [sflag:s1], $0x7000  }
0x6e: {  	s4 =	simm.s32 @!p0 $0x0;
	[sflag:s1] =	ssyncset.done @p0 $0x0  }
0x6f: {  	s0 =	simm.s32 @!p0 $0x1C00;
	[sflag:s1] =	ssyncadd.s32 @p0 $0xFFFF9000;
	s1 =	simm.s32 @!p0 $0x80  }
0x70: {  	[tilespmem:s0], [sflag:$0x1] =	stream.indirect.gather @!p0 [hbm4b:s3+s1], $0x80, s4, s1, $0xb8;
	[tilespmem:$0x1DC00] =	vst v63  }
0x71: {  	s0 =	simm.s32 @!p0 $0x5C;
	s4 =	simm.s32 @!p0 $0x5C00  }
0x72: {  	[tilespmem:s4], [sflag:$0x1] =	stream.indirect.gather @!p0 [hbm4b:s3+s0], $0x80, s1, s0, $0xb8;
	[tilespmem:$0x1DC00] =	vst v63  }
0x73: {  	s5 =	simm.s32 @!p0 $0x8C00;
	s4 =	simm.s32 @!p0 $0xE0  }
0x74: {  	[tilespmem:s5], [sflag:$0x2] =	stream.indirect.gather @!p0 [hbm4b:s3+s1], $0x80, s4, s1, $0xb8;
	[tilespmem:$0x1DC00] =	vst v63  }
0x75: {  	s4 =	simm.s32 @!p0 $0x160;
	s5 =	simm.s32 @!p0 $0xCC00  }
0x76: {  	[tilespmem:s5], [sflag:$0x2] =	stream.indirect.gather @!p0 [hbm4b:s3+s0], $0x80, s4, s0, $0xb8;
	[tilespmem:$0x1DC00] =	vst v63  }
0x77: {  	s29 =	simm.s32 @!p0 $0x0;
	s4 =	simm.s32 @!p0 $0x1C0;
	s5 =	simm.s32 @!p0 $0xFC00  }
0x78: {  	[tilespmem:s5], [sflag:$0x3] =	stream.indirect.gather @!p0 [hbm4b:s3+s1], $0x80, s4, s1, $0xb8;
	[tilespmem:$0x1DC00] =	vst v63  }
0x79: {  	s30 =	rddreg [dreg:$0x5];
	s1 =	simm.s32 @!p0 $0x240;
	s4 =	simm.s32 @!p0 $0x13C00  }
0x7a: {  	[tilespmem:s4], [sflag:$0x3] =	stream.indirect.gather @!p0 [hbm4b:s3+s0], $0x80, s1, s0, $0xb8;
	[tilespmem:$0x1DC00] =	vst v63  }
0x7b: {  	s31 =	rddreg [dreg:$0x3];
	s1 =	sadd.s32 $0x2A0, s29  }
0x7c: {  	[tilespmem:s11], [sflag:$0x4] =	stream.indirect.gather [hbm4b:s3+s31], $0x80, s1, s31, $0xb8;
	[tilespmem:$0x1DC00] =	vst v63  }
0x7d: {  	s5 =	sadd.s32 $0x320, s29;
	s4 =	rddreg [dreg:$0x4]  }
0x7e: {  	[tilespmem:s4], [sflag:$0x4] =	stream.indirect.gather [hbm4b:s3+s30], $0x80, s5, s30, $0xb8;
	[tilespmem:$0x1DC00] =	vst v63  }
0x7f: {  	_ =	swait.ge [sflag:s12], $0x4000  }
0x80: {  	[sflag:s12] =	ssyncset.done $0x0  }
0x81: {  	[sflag:s12] =	ssyncadd.s32 $0xFFFFC000  }
0x82: {  	_ =	swait.ge [sflag:s12], $0x2E00  }
0x83: {  	[sflag:s12] =	ssyncset.done $0x0  }
0x84: {  	s29 =	rddreg [dreg:$0x6];
	[sflag:s12] =	ssyncadd.s32 $0xFFFFD200  }
0x85: {  	[hbm4b:s24+s2] =	stream.linear.scatter [tilespmem:s29], [sflag:$0x5], $0x7000, $0x38;
	[tilespmem:$0x1DC00] =	vst v63  }
0x86: {  	_ =	swait.ge [sflag:s13], $0x4000  }
0x87: {  	[sflag:s13] =	ssyncset.done $0x0  }
0x88: {  	[sflag:s13] =	ssyncadd.s32 $0xFFFFC000  }
0x89: {  	_ =	swait.ge [sflag:s13], $0x2E00  }
0x8a: {  	[sflag:s13] =	ssyncset.done $0x0  }
0x8b: {  	s30 =	rddreg [dreg:$0x7];
	[sflag:s13] =	ssyncadd.s32 $0xFFFFD200  }
0x8c: {  	[hbm4b:s23+s2] =	stream.linear.scatter [tilespmem:s30], [sflag:$0x6], $0x7000, $0x38;
	[tilespmem:$0x1DC00] =	vst v63  }
0x8d: {  	_ =	swait.ge [sflag:s14], $0x4000  }
0x8e: {  	[sflag:s14] =	ssyncset.done $0x0  }
0x8f: {  	[sflag:s14] =	ssyncadd.s32 $0xFFFFC000  }
0x90: {  	_ =	swait.ge [sflag:s14], $0x2E00  }
0x91: {  	s25 =	sadd.s32 $0xE00, s25;
	[sflag:s14] =	ssyncset.done $0x0  }
0x92: {  	p1 =	sne.s32 s25, $0x7000;
	s31 =	rddreg [dreg:$0x8];
	[sflag:s14] =	ssyncadd.s32 $0xFFFFD200  }
0x93: {  	[hbm4b:s22+s2] =	stream.linear.scatter [tilespmem:s31], [sflag:$0x7], $0x7000, $0x38;
	[tilespmem:$0x1DC00] =	vst v63  }
.Ltmp0:
0x94: {  	_ =	swait.ge [sflag:s15], $0x4000;
	(pc) =	sbr.rel @p1 .LBB2_2-.Ltmp0, $4  }
0x95: {  	[sflag:s15] =	ssyncset.done $0x0  }
0x96: {  	s28 =	smov.u32 s21;
	s21 =	sadd.s32 $0x3800, s21;
	[sflag:s15] =	ssyncadd.s32 $0xFFFFC000  }
0x97: {  	p0 =	sne.s32 s26, $0x0;
	s24 =	sadd.s32 $0x3800, s24;
	_ =	swait.ge [sflag:s15], $0x2E00  }
0x98: {  	s23 =	sadd.s32 $0x3800, s23;
	s22 =	sadd.s32 $0x3800, s22;
	[sflag:s15] =	ssyncset.done $0x0  }
0x99: {  	s0 =	simm.s32 @p0 $0x5;
	[sflag:s15] =	ssyncadd.s32 $0xFFFFD200  }
0x9a: {  	[hbm4b:s28+s2] =	stream.linear.scatter [tilespmem:s11], [sflag:$0x8], $0x7000, $0x38;
	[tilespmem:$0x1DC00] =	vst v63  }
0x9b: {  	_ =	swait.ge @p0 [sflag:s0], $0x7000  }
0x9c: {  	s1 =	simm.s32 @p0 $0x6;
	s4 =	simm.s32 @p0 $0x1C00;
	[sflag:s0] =	ssyncset.done @p0 $0x0  }
0x9d: {  	s5 =	simm.s32 @p0 $0x80;
	[sflag:s0] =	ssyncadd.s32 @p0 $0xFFFF9000;
	s0 =	sshra.s32 @p0 s26, $0x2  }
0x9e: {  	[tilespmem:s4], [sflag:$0x1] =	stream.indirect.gather @p0 [hbm4b:s3+s5], $0x80, s0, s5, $0xb8;
	[tilespmem:$0x1DC00] =	vst v63  }
0x9f: {  	s25 =	simm.s32 @p0 $0x5C;
	s4 =	simm.s32 @p0 $0x5C00;
	s10 =	sadd.s32 @p0 $0x80, s0  }
0xa0: {  	[tilespmem:s4], [sflag:$0x1] =	stream.indirect.gather @p0 [hbm4b:s3+s25], $0x80, s10, s25, $0xb8;
	[tilespmem:$0x1DC00] =	vst v63  }
0xa1: {  	_ =	swait.ge @p0 [sflag:s1], $0x7000  }
0xa2: {  	[sflag:s1] =	ssyncset.done @p0 $0x0  }
0xa3: {  	s4 =	sadd.s32 @p0 $0xE0, s0;
	[sflag:s1] =	ssyncadd.s32 @p0 $0xFFFF9000;
	s1 =	simm.s32 @p0 $0x8C00  }
0xa4: {  	[tilespmem:s1], [sflag:$0x2] =	stream.indirect.gather @p0 [hbm4b:s3+s5], $0x80, s4, s5, $0xb8;
	[tilespmem:$0x1DC00] =	vst v63  }
0xa5: {  	s10 =	simm.s32 @p0 $0x7;
	s1 =	sadd.s32 @p0 $0x160, s0;
	s4 =	simm.s32 @p0 $0xCC00  }
0xa6: {  	[tilespmem:s4], [sflag:$0x2] =	stream.indirect.gather @p0 [hbm4b:s3+s25], $0x80, s1, s25, $0xb8;
	[tilespmem:$0x1DC00] =	vst v63  }
0xa7: {  	_ =	swait.ge @p0 [sflag:s10], $0x7000  }
0xa8: {  	[sflag:s10] =	ssyncset.done @p0 $0x0  }
0xa9: {  	s1 =	sadd.s32 @p0 $0x1C0, s0;
	s4 =	simm.s32 @p0 $0xFC00;
	[sflag:s10] =	ssyncadd.s32 @p0 $0xFFFF9000  }
0xaa: {  	[tilespmem:s4], [sflag:$0x3] =	stream.indirect.gather @p0 [hbm4b:s3+s5], $0x80, s1, s5, $0xb8;
	[tilespmem:$0x1DC00] =	vst v63  }
0xab: {  	s1 =	sadd.s32 @p0 $0x240, s0;
	s4 =	simm.s32 @p0 $0x13C00;
	s5 =	simm.s32 @p0 $0x8  }
0xac: {  	[tilespmem:s4], [sflag:$0x3] =	stream.indirect.gather @p0 [hbm4b:s3+s25], $0x80, s1, s25, $0xb8;
	[tilespmem:$0x1DC00] =	vst v63  }
0xad: {  	_ =	swait.ge @p0 [sflag:s5], $0x7000  }
0xae: {  	s1 =	simm.s32 @!p0 $0x1C00;
	[sflag:s5] =	ssyncset.done @p0 $0x0  }
0xaf: {  	s4 =	simm.s32 @!p0 $0x80;
	[sflag:s5] =	ssyncadd.s32 @p0 $0xFFFF9000;
	s5 =	simm.s32 @!p0 $0x0  }
0xb0: {  	[tilespmem:s1], [sflag:$0x1] =	stream.indirect.gather @!p0 [hbm4b:s3+s4], $0x80, s5, s4, $0xb8;
	[tilespmem:$0x1DC00] =	vst v63  }
0xb1: {  	s1 =	simm.s32 @!p0 $0x5C;
	s5 =	simm.s32 @!p0 $0x5C00  }
0xb2: {  	[tilespmem:s5], [sflag:$0x1] =	stream.indirect.gather @!p0 [hbm4b:s3+s1], $0x80, s4, s1, $0xb8;
	[tilespmem:$0x1DC00] =	vst v63  }
0xb3: {  	s10 =	simm.s32 @!p0 $0x8C00;
	s5 =	simm.s32 @!p0 $0xE0  }
0xb4: {  	[tilespmem:s10], [sflag:$0x2] =	stream.indirect.gather @!p0 [hbm4b:s3+s4], $0x80, s5, s4, $0xb8;
	[tilespmem:$0x1DC00] =	vst v63  }
0xb5: {  	s5 =	simm.s32 @!p0 $0x160;
	s10 =	simm.s32 @!p0 $0xCC00  }
0xb6: {  	[tilespmem:s10], [sflag:$0x2] =	stream.indirect.gather @!p0 [hbm4b:s3+s1], $0x80, s5, s1, $0xb8;
	[tilespmem:$0x1DC00] =	vst v63  }
0xb7: {  	s0 =	simm.s32 @!p0 $0x0;
	s5 =	simm.s32 @!p0 $0x1C0;
	s10 =	simm.s32 @!p0 $0xFC00  }
0xb8: {  	[tilespmem:s10], [sflag:$0x3] =	stream.indirect.gather @!p0 [hbm4b:s3+s4], $0x80, s5, s4, $0xb8;
	[tilespmem:$0x1DC00] =	vst v63  }
0xb9: {  	s30 =	rddreg [dreg:$0x5];
	s4 =	simm.s32 @!p0 $0x240;
	s5 =	simm.s32 @!p0 $0x13C00  }
0xba: {  	[tilespmem:s5], [sflag:$0x3] =	stream.indirect.gather @!p0 [hbm4b:s3+s1], $0x80, s4, s1, $0xb8;
	[tilespmem:$0x1DC00] =	vst v63  }
0xbb: {  	s31 =	rddreg [dreg:$0x3];
	s5 =	sadd.s32 $0x2A0, s0  }
0xbc: {  	[tilespmem:s11], [sflag:$0x4] =	stream.indirect.gather [hbm4b:s3+s31], $0x80, s5, s31, $0xb8;
	[tilespmem:$0x1DC00] =	vst v63  }
0xbd: {  	s26 =	rddreg [dreg:$0x4];
	s0 =	sadd.s32 $0x320, s0  }
0xbe: {  	[tilespmem:s26], [sflag:$0x4] =	stream.indirect.gather [hbm4b:s3+s30], $0x80, s0, s30, $0xb8;
	[tilespmem:$0x1DC00] =	vst v63  }
0xbf: {  	_ =	swait.ge [sflag:s12], $0x4000  }
0xc0: {  	[sflag:s12] =	ssyncset.done $0x0  }
0xc1: {  	[sflag:s12] =	ssyncadd.s32 $0xFFFFC000  }
0xc2: {  	_ =	swait.ge [sflag:s12], $0x2E00  }
0xc3: {  	[sflag:s12] =	ssyncset.done $0x0  }
0xc4: {  	s28 =	rddreg [dreg:$0x6];
	[sflag:s12] =	ssyncadd.s32 $0xFFFFD200  }
0xc5: {  	[hbm4b:s24+s2] =	stream.linear.scatter [tilespmem:s28], [sflag:$0x5], $0x7000, $0x38;
	[tilespmem:$0x1DC00] =	vst v63  }
0xc6: {  	_ =	swait.ge [sflag:s13], $0x4000  }
0xc7: {  	[sflag:s13] =	ssyncset.done $0x0  }
0xc8: {  	[sflag:s13] =	ssyncadd.s32 $0xFFFFC000  }
0xc9: {  	_ =	swait.ge [sflag:s13], $0x2E00  }
0xca: {  	[sflag:s13] =	ssyncset.done $0x0  }
0xcb: {  	s29 =	rddreg [dreg:$0x7];
	[sflag:s13] =	ssyncadd.s32 $0xFFFFD200  }
0xcc: {  	[hbm4b:s23+s2] =	stream.linear.scatter [tilespmem:s29], [sflag:$0x6], $0x7000, $0x38;
	[tilespmem:$0x1DC00] =	vst v63  }
0xcd: {  	_ =	swait.ge [sflag:s14], $0x4000  }
0xce: {  	[sflag:s14] =	ssyncset.done $0x0  }
0xcf: {  	[sflag:s14] =	ssyncadd.s32 $0xFFFFC000  }
0xd0: {  	_ =	swait.ge [sflag:s14], $0x2E00  }
0xd1: {  	[sflag:s14] =	ssyncset.done $0x0  }
0xd2: {  	s30 =	rddreg [dreg:$0x8];
	[sflag:s14] =	ssyncadd.s32 $0xFFFFD200  }
0xd3: {  	[hbm4b:s22+s2] =	stream.linear.scatter [tilespmem:s30], [sflag:$0x7], $0x7000, $0x38;
	[tilespmem:$0x1DC00] =	vst v63  }
0xd4: {  	_ =	swait.ge [sflag:s15], $0x4000  }
0xd5: {  	[sflag:s15] =	ssyncset.done $0x0  }
0xd6: {  	[sflag:s15] =	ssyncadd.s32 $0xFFFFC000  }
0xd7: {  	_ =	swait.ge [sflag:s15], $0x2E00  }
0xd8: {  	[sflag:s15] =	ssyncset.done $0x0  }
0xd9: {  	[sflag:s15] =	ssyncadd.s32 $0xFFFFD200  }
0xda: {  	[hbm4b:s21+s2] =	stream.linear.scatter [tilespmem:s11], [sflag:$0x8], $0x7000, $0x38;
	[tilespmem:$0x1DC00] =	vst v63  }
0xdb: {  	_ =	swait.ge [sflag:s16], $0x7000  }
0xdc: {  	[sflag:s16] =	ssyncset.done $0x0  }
0xdd: {  	[sflag:s16] =	ssyncadd.s32 $0xFFFF9000  }
0xde: {  	_ =	swait.ge [sflag:s17], $0x7000  }
0xdf: {  	[sflag:s17] =	ssyncset.done $0x0  }
0xe0: {  	[sflag:s17] =	ssyncadd.s32 $0xFFFF9000  }
0xe1: {  	_ =	swait.ge [sflag:s18], $0x7000  }
0xe2: {  	[sflag:s18] =	ssyncset.done $0x0  }
0xe3: {  	[sflag:s18] =	ssyncadd.s32 $0xFFFF9000  }
0xe4: {  	_ =	swait.ge [sflag:s19], $0x7000  }
0xe5: {  	s20 =	sadd.s32 $0x1, s20;
	s31 =	rddreg [dreg:$0xa]  }
0xe6: {  	p0 =	sne.s32 s20, s31  }
.Ltmp1:
0xe7: {  	_ = 	snop;
	(pc) =	sbr.rel @p0 .LBB2_1-.Ltmp1, $3  }
0xe8: {  	_ =	sdelay $0x1  }
0xe9: {  	[sflag:s19] =	ssyncset.done $0x0  }
0xea: {  	[sflag:s19] =	ssyncadd.s32 $0xFFFF9000  }
0xeb: {  	_ =	sfence.sel $0x180000  }
0xec: {  	[bflag:$0x0] =	sbarrier.arrive $0xFFFF  }
0xed: {  	_ =	strace $0x90000047  }
0xee: {  	s0 =	stileid.u32;
	[bflag:$0x2] =	sbarrier.arrive $0xFFFF  }
0xef: {  	p0 =	sne.s32 s0, $0x0;
	s0 =	rddreg [dreg:$0x2]  }
0xf0: {  	s0 =	sadd.s32 @!p0 $0x100000, s0  }
0xf1: {  	[sflag:s0] =	ssyncadd.tile.s32 @!p0 $0x1;
	_ =	shalt  }
.Lfunc_end2:
_tile_overlayer_lowered:
.L_overlay_start_2:
0xf2: {  	(tag) =	ssettag $0x2  }
0xf3: {  	s0 =	rddreg [dreg:$0x0];
	s2 =	stileid.u32  }
0xf4: {  	s1 =	rddreg [dreg:$0x1];
	p0 =	sne.s32 s2, $0x0  }
0xf5: {  	s3 =	rddreg [dreg:$0x2];
	[bflag:$0x3] =	sbarrier.arrive $0xFFFF;
	s2 =	simm.s32 @!p0 $0x1C09  }
0xf6: {  	[timem:s3], [sflag:s2] =	dma.local @!p0 [hbm:s0], s1  }
0xf7: {  	s0 =	simm.s32 @!p0 $0x9  }
0xf8: {  	_ =	swait.ge @!p0 [sflag:s0], s1  }
0xf9: {  	s1 =	ssub.s32 @!p0 $0x0, s1;
	[sflag:s0] =	ssyncset.done @!p0 $0x0  }
0xfa: {  	[sflag:s0] =	ssyncadd.s32 @!p0 s1  }
0xfb: {  	[bflag:$0x3] =	sbarrier.arrive $0xFFFF  }
0xfc: {  	_ =	shalt  }

// kernel: sparse-core-data-format-call.cloned.1.call-start
scs
called_computation_lowered:
.L_overlay_start_0:
0x0: {  	s2 =	sld [smem:$0x3FD9]  }
0x1: {  	s3 =	sld [smem:$0x3FFE];
	_ =	sdelay $0x1  }
0x2: {  	s1 =	srdreg.scid  }
0x3: {  	s0 =	sand.u32 $0x1, s1  }
0x4: {  	s18 =	sshll.u32 s0, $0xA;
	s2 =	sadd.s32 s3, s2  }
0x5: {  	s2 =	sadd.s32 s2, s18  }
0x6: {  	[smem:$0x3FC5] =	sst s2  }
0x7: {  	_ = 	snop  }
0x8: {  	s2 =	sld [smem:$0x3FD0];
	(tm) =	ssettm $0x1  }
0x9: {  	s19 =	sld [smem:$0x3FFB];
	_ =	sdelay $0x3  }
0xa: {  	_ =	strace s19  }
0xb: {  	s3 =	sld [smem:$0x3FFC];
	_ =	sdelay $0x3  }
0xc: {  	_ =	strace s3  }
0xd: {  	s3 =	sld [smem:$0x3FFD];
	_ =	sdelay $0x3  }
0xe: {  	_ =	strace s3  }
0xf: {  	_ =	strace $0x8FFFFFFF  }
0x10: {  	s20 =	sld [smem:$0x3FDB];
	_ =	sdelay $0x1  }
0x11: {  	s4 =	simm.s32 $_scs_section_size  }
0x12: {  	s5 =	simm.s32 $_size__tile_overlayer_lowered;
	s6 =	simm.s32 $_tile_overlayer_lowered  }
0x13: {  	s23 =	simm.s32 $0x1BFF;
	s22 =	sshll.u32 s6, $0x1;
	s3 =	sadd.s32 s4, s20  }
0x14: {  	s7 =	simm.s32 $0x0;
	s21 =	sshll.u32 s5, $0x1;
	s5 =	sadd.s32 s22, s3  }
0x15: {  	[timem:s7], [sflag:s23] =	dma.local [hbm:s5], s21  }
0x16: {  	_ =	swait.ge [sflag:s23], s21  }
0x17: {  	s4 =	ssub.s32 $0x0, s21;
	[sflag:s23] =	ssyncset.done $0x0  }
0x18: {  	[sflag:s23] =	ssyncadd.s32 s4;
	_ =	sdelay $0x1  }
0x19: {  	s24 =	simm.s32 $0x1B8B  }
0x1a: {  	_ =	swait.ge [sflag:s24], $0x1  }
0x1b: {  	[sflag:s24] =	ssyncset.done $0x0  }
0x1c: {  	s26 =	simm.s32 $0x1B8E;
	s25 =	sld [smem:$0x3FFE];
	[sflag:s24] =	ssyncadd.s32 $0xFFFFFFFF  }
0x1d: {  	s27 =	simm.s32 $execute0_lowered;
	[smem:$0x3FD2] =	sst s26  }
0x1e: {  	s5 =	sshll.u32 s27, $0x1;
	_ =	strace $0x80000049;
	[dreg:$0x1] =	wrdreg $0xFFFFFFFF  }
0x1f: {  	s28 =	simm.s32 $_size_execute0_lowered;
	s3 =	sadd.s32 s3, s5;
	[dreg:$0x0] =	wrdreg $0x0  }
0x20: {  	s5 =	sshll.u32 s28, $0x1;
	[dreg:$0x2] =	wrdreg s3  }
0x21: {  	[dreg:$0x3] =	wrdreg s5  }
0x22: {  	[dreg:$0x4] =	wrdreg $0xC0  }
0x23: {  	_ =	task [dreg:s7], $0x5FFFF  }
0x24: {  	[dreg:$0x1] =	wrdreg $0xFFFFFFFF  }
0x25: {  	[dreg:$0x0] =	wrdreg $0x60  }
0x26: {  	[dreg:$0x2] =	wrdreg s25  }
0x27: {  	[dreg:$0x3] =	wrdreg s2  }
0x28: {  	[dreg:$0x4] =	wrdreg $0x9  }
0x29: {  	_ =	task.clear_ibuf [dreg:s7], $0x5FFFF;
	_ =	strace $0x90000049  }
0x2a: {  	s29 =	simm.s32 $0x9;
	_ =	strace $0x8000004B  }
0x2b: {  	_ =	swait.ge [sflag:s29], $0x1  }
0x2c: {  	[sflag:s29] =	ssyncadd.s32 $0xFFFFFFFF  }
0x2d: {  	_ =	strace $0x9000004B  }
0x2e: {  	_ =	sfence  }
0x2f: {  	s30 =	sld [smem:$0x0];
	_ =	sdelay $0x2  }
0x30: {  	s31 =	sshll.u32 s1, $0xD;
	s1 =	sshrl.u32 s1, $0x2  }
0x31: {  	s3 =	sand.u32 $0x4000, s31;
	s1 =	sadd.s32 s1, s30  }
0x32: {  	s0 =	sor.u32 s3, s0;
	s1 =	sshll.u32 s1, $0x11  }
0x33: {  	s0 =	sor.u32 s1, s0  }
0x34: {  	s0 =	sadd.s32 $0x8F2B, s0  }
0x35: {  	[sflag:s0] =	ssyncadd.remote.s32 $0x1  }
0x36: {  	_ =	sfence.sel $0xFFFF  }
0x37: {  	[dreg:$0x0] =	wrdreg $0xFFFFFFFF;
	(pc) =	sbr.abs _section_cstart, $3  }
0x38: {  	[dreg:$0x1] =	wrdreg $0xFFFFFFFF  }
0x39: {  	_ =	task.clear_ibuf [dreg:s7], $0x2FFFF;
	_ =	strace $0x9FFFFFFF  }
0x3a: {  	(tm) =	ssettm $0x7FFFFFFF  }
0x3b: {  	_ =	shalt  }
tec
execute0_lowered:
.L_overlay_start_1:
0x0: {  	(tag) =	ssettag $0x1  }
0x1: {  	s0 =	stileid.u32;
	s6 =	rddreg [dreg:$0x0]  }
0x2: {  	s2 =	rddreg [dreg:$0x1];
	s5 =	srdreg.scid  }
0x3: {  	s31 =	simm.s32 $0x2;
	s13 =	simm.s32 $0x0;
	s1 =	sshll.u32 s0, $0x7  }
0x4: {  	s14 =	simm.s32 $0x0;
	s12 =	simm.s32 $0x0;
	s3 =	sand.u32 $0x380, s1  }
0x5: {  	s5 =	sshll.u32 s5, $0x4;
	s6 =	sadd.s32 $0xC00, s6;
	s4 =	ssub.s32 $0x400, s3  }
0x6: {  	s1 =	rddreg [dreg:$0x2];
	_ =	strace $0x8000004A;
	s7 =	sand.u32 $0x380, s4  }
0x7: {  	s5 =	sand.u32 $0x10, s5;
	p0 =	sne.s32 s7, $0x0;
	s7 =	simm.s32 $0x1  }
.Ltmp0:
0x8: {  	s8 =	sshrl.u32 s4, $0xA;
	s7 =	simm.s32 @!p0 $0x0;
	(pc) =	sbr.rel .LBB1_1-.Ltmp0, $4  }
0x9: {  	s9 =	sor.u32 s0, s5;
	s4 =	simm.s32 $0x1;
	s30 =	sadd.s32 s7, s8  }
0xa: {  	s11 =	smov.u32 s3;
	[sflag:s4] =	ssyncpa.u1 $0x0;
	s5 =	smul.u32 $0x37, s30  }
0xb: {  	[sflag:s31] =	ssyncpa.u1 $0x0;
	p0 =	por $0x0, $0x0;
	s7 =	sshrl.u32 s9, $0x3  }
0xc: {  	s9 =	simm.s32 $0x2000;
	s10 =	smov.u32 s7;
	s8 =	sadd.s32 $0x1, s5  }
.LBB1_4:
0xd: {  	s17 =	sand.u32 $0x1F80, s14;
	s13 =	sshll.u32 s13, $0xD  }
0xe: {  	[tilespmem:s16+$0x810 ss:$0x81] =	vst.msk $0xffff, v2;
	s18 =	sshrl.u32 s14, $0x3;
	s31 =	sand.u32 $0x7, s14;
	s17 =	sadd.s32 s2, s17  }
0xf: {  	[tilespmem:s16+$0x1020 ss:$0x81] =	vst.msk $0xffff, v0;
	s18 =	sand.u32 $0xF, s18;
	s14 =	sshll.u32 s31, $0x12;
	s13 =	sadd.s32 s13, s17  }
0x10: {  	[tilespmem:s16+$0x0 ss:$0x81] =	vst.msk $0xffff, v1;
	s14 =	sor.u32 $0x400, s14;
	s13 =	sadd.s32 s18, s13  }
0x11: {  	[hbm4b:s13+s14] =	stream.strided.scatter [tilespmem:s15], [sflag:$0x2], $0x2000, s9, s14, $0x20;
	[tilespmem:$0x8080] =	vst v63  }
.LBB1_5:
0x12: {  	s15 =	sadd.s32 $0x4, s10  }
0x13: {  	s13 =	sadd.s32 $0x400, s11;
	s17 =	smov.u32 s11;
	p2 =	sgt.s32 s15, $0xDB  }
0x14: {  	s17 =	smov.u32 @p2 s13  }
0x15: {  	s15 =	smov.u32 @p2 s7;
	p2 =	sgt.s32 s17, $0x3FF  }
0x16: {  	s17 =	smov.u32 @p2 s3;
	p2 =	sne.s32 s12, s8  }
.Ltmp1:
0x17: {  	p1 =	slt.u32 s12, $0x2;
	(pc) =	sbr.rel @!p2 .LBB1_6-.Ltmp1, $4  }
0x18: {  	s16 =	simm.s32 @!p1 $0x2  }
0x19: {  	s14 =	smov.u32 s11;
	p0 =	por !p0, !p0;
	_ =	swait.ge @!p1 [sflag:s16], $0x2000  }
0x1a: {  	s13 =	smov.u32 s10;
	[sflag:s16] =	ssyncset.done @!p1 $0x0;
	s10 =	smov.u32 s15  }
0x1b: {  	s12 =	sadd.s32 $0x1, s12;
	[sflag:s16] =	ssyncadd.s32 @!p1 $0xFFFFE000;
	s11 =	smov.u32 s17  }
.LBB1_1:
0x1c: {  	p1 =	sge.u32 s12, s5  }
0x1d: {  	s15 =	sand.u32 @!p1 $0x1FFFFFF, s10  }
0x1e: {  	s16 =	smulhi.u32 @!p1 $0x2492493, s15;
	_ =	sdelay $0x1  }
0x1f: {  	s16 =	sshrl.u32 @!p1 s16, $0x1  }
0x20: {  	s16 =	smul.u32 @!p1 $0xE0, s16  }
0x21: {  	s17 =	sxor.u32 @!p1 $0xFFFFFFFF, s12;
	s18 =	smul.u32 @!p1 $0xE00, s11  }
0x22: {  	s31 =	sadd.s32 $0xFFFFFFFF, s12;
	s17 =	sshll.u32 @!p1 s17, $0xD;
	s15 =	ssub.s32 @!p1 s15, s16  }
0x23: {  	s16 =	sand.u32 @!p1 $0x2000, s17;
	s17 =	sadd.s32 @!p1 s6, s18;
	s15 =	sshll.u32 @!p1 s15, $0x4  }
0x24: {  	s18 =	simm.s32 @!p1 $0x7000;
	s15 =	sadd.s32 @!p1 s15, s17;
	s17 =	simm.s32 @!p1 $0x40  }
0x25: {  	[tilespmem:s16], [sflag:$0x1] =	stream.strided.gather @!p1 [hbm4b:s15+s17], $0x2000, s18, s17, $0x38;
	[tilespmem:$0x8080] =	vst v63  }
0x26: {  	p1 =	sge.u32 s31, s5  }
.Ltmp2:
0x27: {  	_ = 	snop;
	(pc) =	sbr.rel @p1 .LBB1_5-.Ltmp2, $1  }
0x28: {  	_ =	sdelay $0x3  }
0x29: {  	s15 =	simm.s32 $0x1  }
0x2a: {  	_ =	swait.ge [sflag:s4], $0x2000;
	s15 =	simm.s32 @!p0 $0x0  }
0x2b: {  	[sflag:s4] =	ssyncset.done $0x0;
	s16 =	sshll.u32 s15, $0xD  }
0x2c: {  	[sflag:s4] =	ssyncadd.s32 $0xFFFFE000;
	s19 =	sor.u32 $0x20, s16  }
0x2d: {  	s15 =	smul.u32 $0x8100, s15;
	v3 =	vld [tilespmem:s19+$0x10]  }
0x2e: {  	s30 =	sand.u32 $0x1, s12;
	v2 =	vld [tilespmem:s19+$0xFFFFFFF0]  }
0x2f: {  	s16 =	smul.u32 $0x8100, s30;
	s15 =	sshrl.u32 s15, $0x2;
	v0 =	vld [tilespmem:s19+$0x0]  }
0x30: {  	v1 =	vld [tilespmem:s19+$0xFFFFFFE0];
	s17 =	sor.u32 $0x4000, s15  }
0x31: {  	s31 =	sshrl.u32 s16, $0x2;
	s16 =	sadd.s32 $0x0, s17  }
0x32: {  	s18 =	simm.s32 $0x4;
	s19 =	sadd.s32 $0x40, s19;
	s15 =	sor.u32 $0x4000, s31;
	[tilespmem:s16+$0x1830 ss:$0x81] =	vst.msk $0xffff, v3  }
.LBB1_3:
0x33: {  	v3 =	vld [tilespmem:s19+$0x10];
	p1 =	sne.s32 s18, $0x1FC;
	[tilespmem:s16+$0x810 ss:$0x81] =	vst.msk $0xffff, v2;
	s20 =	smov.u32 s18;
	s18 =	sadd.s32 $0x4, s18  }
.Ltmp3:
0x34: {  	v2 =	vld [tilespmem:s19+$0xFFFFFFF0];
	[tilespmem:s16+$0x1020 ss:$0x81] =	vst.msk $0xffff, v0;
	(pc) =	sbr.rel @p1 .LBB1_3-.Ltmp3, $4  }
0x35: {  	v0 =	vld [tilespmem:s19+$0x0];
	[tilespmem:s16+$0x0 ss:$0x81] =	vst.msk $0xffff, v1  }
0x36: {  	s16 =	sshra.s32 s20, $0x2;
	v1 =	vld [tilespmem:s19+$0xFFFFFFE0]  }
0x37: {  	s16 =	sadd.s32 s16, s17  }
0x38: {  	s19 =	sadd.s32 $0x40, s19;
	[tilespmem:s16+$0x1830 ss:$0x81] =	vst.msk $0xffff, v3  }
.Ltmp4:
0x39: {  	_ = 	snop;
	(pc) =	sbr.rel .LBB1_4-.Ltmp4, $1  }
0x3a: {  	_ =	sdelay $0x3  }
.LBB1_6:
0x3b: {  	_ =	sfence.sel $0x180000  }
0x3c: {  	s2 =	simm.s32 $0x1;
	[bflag:$0x0] =	sbarrier.arrive $0xFFFF  }
0x3d: {  	s31 =	simm.s32 $0x2;
	[sflag:s2] =	ssyncpa.u1 $0x1  }
0x3e: {  	[sflag:s31] =	ssyncpa.u1 $0x1  }
0x3f: {  	p0 =	sne.s32 s0, $0x0;
	_ =	strace $0x9000004A  }
0x40: {  	s0 =	sadd.s32 @!p0 $0x100000, s1;
	[bflag:$0x2] =	sbarrier.arrive $0xFFFF  }
0x41: {  	[sflag:s0] =	ssyncadd.tile.s32 @!p0 $0x1;
	_ =	shalt  }
.Lfunc_end1:
_tile_overlayer_lowered:
.L_overlay_start_2:
0x42: {  	(tag) =	ssettag $0x2  }
0x43: {  	s0 =	rddreg [dreg:$0x0];
	s2 =	stileid.u32  }
0x44: {  	s1 =	rddreg [dreg:$0x1];
	p0 =	sne.s32 s2, $0x0  }
0x45: {  	s3 =	rddreg [dreg:$0x2];
	[bflag:$0x3] =	sbarrier.arrive $0xFFFF;
	s2 =	simm.s32 @!p0 $0x1C01  }
0x46: {  	[timem:s3], [sflag:s2] =	dma.local @!p0 [hbm:s0], s1  }
0x47: {  	s0 =	simm.s32 @!p0 $0x1  }
0x48: {  	_ =	swait.ge @!p0 [sflag:s0], s1  }
0x49: {  	s1 =	ssub.s32 @!p0 $0x0, s1;
	[sflag:s0] =	ssyncset.done @!p0 $0x0  }
0x4a: {  	[sflag:s0] =	ssyncadd.s32 @!p0 s1  }
0x4b: {  	[bflag:$0x3] =	sbarrier.arrive $0xFFFF  }
0x4c: {  	_ =	shalt  }

</sc_bundles>
